<compile_context>
chip_gen: v7x
topology: tpu7x:2x2x1
jax: 0.10.2.dev20260603
libtpu: 0.0.44.dev20260713+nightly
codegen_flags: <defaults>
</compile_context>

<pallas_src>
import functools

import jax
import jax.numpy as jnp
from jax import lax
from jax.experimental import pallas as pl
from jax.experimental.pallas import tpu as pltpu
from jax.experimental.pallas import tpu_sc as plsc

D = 128
LANES = 16
NC = 2
NS = 16
NW = NC * NS


def _make_sc_kernel(B: int):
    BPW = B // NW
    CH = 128
    NCH = BPW // CH
    NBUF = 2
    GPC = CH // LANES
    NG = BPW // LANES

    mesh = plsc.VectorSubcoreMesh(core_axis_name="c", subcore_axis_name="s")

    @functools.partial(
        pl.kernel,
        mesh=mesh,
        out_type=jax.ShapeDtypeStruct((B,), jnp.float32),
        scratch_types=[
            pltpu.VMEM((BPW,), jnp.int32),
            pltpu.VMEM((BPW,), jnp.int32),
            pltpu.VMEM((BPW,), jnp.int32),
            pltpu.VMEM((NBUF, 3, CH, D), jnp.float32),
            pltpu.VMEM((NBUF, CH), jnp.float32),
            pltpu.VMEM((BPW,), jnp.float32),
            pltpu.SemaphoreType.DMA,
            pltpu.SemaphoreType.DMA,
        ],
    )
    def body(users_hbm, items_hbm, attrs_hbm, ut_hbm, at_hbm, it_hbm,
             ic_hbm, out_hbm, uidx, iidx, aidx, gbuf, bbuf, obuf,
             sem0, sem1):
        wid = lax.axis_index("s") * NC + lax.axis_index("c")
        base = wid * BPW
        pltpu.sync_copy(users_hbm.at[pl.ds(base, BPW)], uidx)
        pltpu.sync_copy(items_hbm.at[pl.ds(base, BPW)], iidx)
        pltpu.sync_copy(attrs_hbm.at[pl.ds(base, BPW)], aidx)

        sems = (sem0, sem1)
        lane_ids = lax.iota(jnp.int32, LANES)

        def fold(v, k):
            return v + v.at[lane_ids ^ k].get(mode="promise_in_bounds")

        def issue(c, slot):
            cb = pl.multiple_of(c * CH, CH)
            pltpu.async_copy(ut_hbm.at[uidx.at[pl.ds(cb, CH)]],
                             gbuf.at[slot, 0], sems[slot])
            pltpu.async_copy(at_hbm.at[aidx.at[pl.ds(cb, CH)]],
                             gbuf.at[slot, 1], sems[slot])
            pltpu.async_copy(it_hbm.at[iidx.at[pl.ds(cb, CH)]],
                             gbuf.at[slot, 2], sems[slot])
            pltpu.async_copy(ic_hbm.at[iidx.at[pl.ds(cb, CH)]],
                             bbuf.at[slot], sems[slot])

        def wait_slot(slot):
            pltpu.make_async_copy(ut_hbm.at[pl.ds(0, CH)],
                                  gbuf.at[slot, 0], sems[slot]).wait()
            pltpu.make_async_copy(at_hbm.at[pl.ds(0, CH)],
                                  gbuf.at[slot, 1], sems[slot]).wait()
            pltpu.make_async_copy(it_hbm.at[pl.ds(0, CH)],
                                  gbuf.at[slot, 2], sems[slot]).wait()
            pltpu.make_async_copy(ic_hbm.at[pl.ds(0, CH)],
                                  bbuf.at[slot], sems[slot]).wait()

        issue(0, 0)

        def row_acc(slot, r):
            accs = [jnp.zeros((LANES,), jnp.float32) for _ in range(4)]
            for j in range(D // LANES):
                u = gbuf[slot, 0, r, pl.ds(j * LANES, LANES)]
                a = gbuf[slot, 1, r, pl.ds(j * LANES, LANES)]
                i = gbuf[slot, 2, r, pl.ds(j * LANES, LANES)]
                accs[2 * (j % 2)] = accs[2 * (j % 2)] + u * a
                accs[2 * (j % 2) + 1] = accs[2 * (j % 2) + 1] + u * i
            return (accs[0] + accs[1]) + (accs[2] + accs[3])

        def g_body(g, _):
            c = g // GPC
            slot = lax.rem(c, NBUF)

            @pl.when(lax.rem(g, GPC) == 0)
            def _():
                @pl.when(slot == 0)
                def _():
                    wait_slot(0)

                @pl.when(slot == 1)
                def _():
                    wait_slot(1)

                @pl.when(c + 1 < NCH)
                def _():
                    @pl.when(slot == 0)
                    def _():
                        issue(c + 1, 1)

                    @pl.when(slot == 1)
                    def _():
                        issue(c + 1, 0)

            rbase = lax.rem(g, GPC) * LANES

            def pair_body(q, sums):
                va = row_acc(slot, rbase + q)
                vb = row_acc(slot, rbase + q + 8)
                p = jnp.where(lane_ids < 8, fold(va, 8), fold(vb, 8))
                for sh in (4, 2, 1):
                    p = fold(p, sh)
                return jnp.where((lane_ids & 7) == q, p, sums)

            sums = lax.fori_loop(0, LANES // 2, pair_body,
                                 jnp.zeros((LANES,), jnp.float32),
                                 unroll=2)
            obuf[pl.ds(g * LANES, LANES)] = (
                sums + bbuf[slot, pl.ds(rbase, LANES)])
            return 0

        lax.fori_loop(0, NG, g_body, 0)

        pltpu.sync_copy(obuf, out_hbm.at[pl.ds(base, BPW)])

    return body


def kernel(users, items, item_attributes, offsets, user_table, attr_table,
           item_table, intercepts):
    del offsets
    B = users.shape[0]
    sc = _make_sc_kernel(B)
    return sc(users, items, item_attributes, user_table, attr_table,
              item_table, intercepts.reshape(-1))

# --- scband reference (transcript-rebuilt; emitter-appended) ---
"""Pipeline reference for scband-inner-product-49160195670318 (READ-ONLY COPY).

The authoritative reference and input builder live on the scoring server;
editing this copy changes nothing except your own understanding.
"""

import jax, jax.numpy as jnp
import numpy as np

B = 16384
N_USERS = 100000
N_ITEMS = 100000
N_ATTR = 1000
D = 128


def setup_inputs(seed: int = 0) -> dict:
    key = jax.random.key(seed)
    k1, k2, k3, k4, k5, k6, k7 = jax.random.split(key, 7)
    users = jax.random.randint(k1, (B,), 0, N_USERS, dtype=jnp.int32)
    items = jax.random.randint(k2, (B,), 0, N_ITEMS, dtype=jnp.int32)
    item_attributes = jax.random.randint(k3, (B,), 0, N_ATTR, dtype=jnp.int32)
    offsets = jnp.arange(B, dtype=jnp.int32)  # one attribute per bag
    user_table = jax.random.normal(k4, (N_USERS, D), dtype=jnp.float32)
    attr_table = jax.random.normal(k5, (N_ATTR, D), dtype=jnp.float32)
    item_table = jax.random.normal(k6, (N_ITEMS, D), dtype=jnp.float32)
    intercepts = jax.random.normal(k7, (N_ITEMS, 1), dtype=jnp.float32)
    return {
        "users": users,
        "items": items,
        "item_attributes": item_attributes,
        "offsets": offsets,
        "user_table": user_table,
        "attr_table": attr_table,
        "item_table": item_table,
        "intercepts": intercepts,
    }


def reference(users, items, item_attributes, offsets, user_table, attr_table, item_table, intercepts):
    # user embedding lookup
    user_emb = jnp.take(user_table, users, axis=0)
    # EmbeddingBag with offsets, mode='mean' (torch default)
    n_tok = item_attributes.shape[0]
    n_bags = offsets.shape[0]
    seg_ids = jnp.searchsorted(offsets, jnp.arange(n_tok, dtype=offsets.dtype), side="right") - 1
    attr_gathered = jnp.take(attr_table, item_attributes, axis=0)
    bag_sums = jax.ops.segment_sum(attr_gathered, seg_ids, num_segments=n_bags)
    bag_counts = jax.ops.segment_sum(jnp.ones((n_tok,), dtype=attr_gathered.dtype), seg_ids, num_segments=n_bags)
    attr_emb = bag_sums / jnp.maximum(bag_counts, 1.0)[:, None]
    # item embedding lookup
    item_emb = jnp.take(item_table, items, axis=0)
    logits = (user_emb * (attr_emb + item_emb)).sum(-1)
    bias = jnp.take(intercepts, items, axis=0)[:, 0]
    return logits + bias

if __name__ == "__main__":
    import jax
    _d = setup_inputs()
    print(jax.jit(kernel)(*tuple(_d.values())))

</pallas_src>

<mosaic_0001>
#map = affine_map<(d0, d1) -> (0)>
#map1 = affine_map<(d0, d1) -> (0, 0)>
module attributes {stable_mosaic.version = 14 : i64} {
  func.func @body(%arg0: i32, %arg1: i32, %arg2: memref<16384xi32, #tpu.memory_space<hbm>>, %arg3: memref<16384xi32, #tpu.memory_space<hbm>>, %arg4: memref<16384xi32, #tpu.memory_space<hbm>>, %arg5: memref<100000x128xf32, #tpu.memory_space<hbm>>, %arg6: memref<1000x128xf32, #tpu.memory_space<hbm>>, %arg7: memref<100000x128xf32, #tpu.memory_space<hbm>>, %arg8: memref<100000xf32, #tpu.memory_space<hbm>>, %arg9: memref<16384xf32, #tpu.memory_space<hbm>>, %arg10: memref<512xi32, #tpu.memory_space<vmem>>, %arg11: memref<512xi32, #tpu.memory_space<vmem>>, %arg12: memref<512xi32, #tpu.memory_space<vmem>>, %arg13: memref<2x3x128x128xf32, #tpu.memory_space<vmem>>, %arg14: memref<2x128xf32, #tpu.memory_space<vmem>>, %arg15: memref<512xf32, #tpu.memory_space<vmem>>, %arg16: memref<!tpu.dma_semaphore, #tpu.memory_space<semaphore_mem>>, %arg17: memref<!tpu.dma_semaphore, #tpu.memory_space<semaphore_mem>>) attributes {dimension_semantics = [#tpu.dimension_semantics<core_parallel>, #tpu.dimension_semantics<subcore_parallel>], iteration_bounds = array<i64: 2, 16>, scalar_prefetch = 0 : i64, scratch_operands = 8 : i64, tpu.core_type = #tpu.core_type<sc_vector_subcore>, window_params = [{transform_indices = #map}, {transform_indices = #map}, {transform_indices = #map}, {transform_indices = #map1}, {transform_indices = #map1}, {transform_indices = #map1}, {transform_indices = #map}, {transform_indices = #map}]} {
    %mul3A = arith.constant 2 : i32
    %mul3A_0 = arith.muli %arg1, %mul3A : i32
    %add3A = arith.addi %mul3A_0, %arg0 : i32
    %mul3A_1 = arith.constant 512 : i32
    %mul3A_2 = arith.muli %add3A, %mul3A_1 : i32
    "tpu.region"() ({
      %run_scoped3A = tpu.sem_alloc : memref<!tpu.dma_semaphore, #tpu.memory_space<semaphore_mem>>
      %dma_start3A_46 = tpu.memref_slice %arg2[%mul3A_2] : memref<16384xi32, #tpu.memory_space<hbm>> -> memref<512xi32, #tpu.memory_space<hbm>>
      %dma_start3A_47 = tpu.memref_slice %arg2[%mul3A_2] : memref<16384xi32, #tpu.memory_space<hbm>> -> memref<512xi32, #tpu.memory_space<hbm>>
      tpu.enqueue_dma source(%dma_start3A_47 : memref<512xi32, #tpu.memory_space<hbm>>) target(%arg10 : memref<512xi32, #tpu.memory_space<vmem>>) target_semaphore(%run_scoped3A : memref<!tpu.dma_semaphore, #tpu.memory_space<semaphore_mem>>)
      %dma_wait3A = tpu.memref_slice %arg2[%mul3A_2] : memref<16384xi32, #tpu.memory_space<hbm>> -> memref<512xi32, #tpu.memory_space<hbm>>
      %dma_wait3A_48 = tpu.memref_slice %arg2[%mul3A_2] : memref<16384xi32, #tpu.memory_space<hbm>> -> memref<512xi32, #tpu.memory_space<hbm>>
      tpu.wait_dma2 semaphore(%run_scoped3A : memref<!tpu.dma_semaphore, #tpu.memory_space<semaphore_mem>>) src(%dma_wait3A_48 : memref<512xi32, #tpu.memory_space<hbm>>) dst(%arg10 : memref<512xi32, #tpu.memory_space<vmem>>)
      tpu.yield
    }) : () -> ()
    "tpu.region"() ({
      %run_scoped3A = tpu.sem_alloc : memref<!tpu.dma_semaphore, #tpu.memory_space<semaphore_mem>>
      %dma_start3A_46 = tpu.memref_slice %arg3[%mul3A_2] : memref<16384xi32, #tpu.memory_space<hbm>> -> memref<512xi32, #tpu.memory_space<hbm>>
      %dma_start3A_47 = tpu.memref_slice %arg3[%mul3A_2] : memref<16384xi32, #tpu.memory_space<hbm>> -> memref<512xi32, #tpu.memory_space<hbm>>
      tpu.enqueue_dma source(%dma_start3A_47 : memref<512xi32, #tpu.memory_space<hbm>>) target(%arg11 : memref<512xi32, #tpu.memory_space<vmem>>) target_semaphore(%run_scoped3A : memref<!tpu.dma_semaphore, #tpu.memory_space<semaphore_mem>>)
      %dma_wait3A = tpu.memref_slice %arg3[%mul3A_2] : memref<16384xi32, #tpu.memory_space<hbm>> -> memref<512xi32, #tpu.memory_space<hbm>>
      %dma_wait3A_48 = tpu.memref_slice %arg3[%mul3A_2] : memref<16384xi32, #tpu.memory_space<hbm>> -> memref<512xi32, #tpu.memory_space<hbm>>
      tpu.wait_dma2 semaphore(%run_scoped3A : memref<!tpu.dma_semaphore, #tpu.memory_space<semaphore_mem>>) src(%dma_wait3A_48 : memref<512xi32, #tpu.memory_space<hbm>>) dst(%arg11 : memref<512xi32, #tpu.memory_space<vmem>>)
      tpu.yield
    }) : () -> ()
    "tpu.region"() ({
      %run_scoped3A = tpu.sem_alloc : memref<!tpu.dma_semaphore, #tpu.memory_space<semaphore_mem>>
      %dma_start3A_46 = tpu.memref_slice %arg4[%mul3A_2] : memref<16384xi32, #tpu.memory_space<hbm>> -> memref<512xi32, #tpu.memory_space<hbm>>
      %dma_start3A_47 = tpu.memref_slice %arg4[%mul3A_2] : memref<16384xi32, #tpu.memory_space<hbm>> -> memref<512xi32, #tpu.memory_space<hbm>>
      tpu.enqueue_dma source(%dma_start3A_47 : memref<512xi32, #tpu.memory_space<hbm>>) target(%arg12 : memref<512xi32, #tpu.memory_space<vmem>>) target_semaphore(%run_scoped3A : memref<!tpu.dma_semaphore, #tpu.memory_space<semaphore_mem>>)
      %dma_wait3A = tpu.memref_slice %arg4[%mul3A_2] : memref<16384xi32, #tpu.memory_space<hbm>> -> memref<512xi32, #tpu.memory_space<hbm>>
      %dma_wait3A_48 = tpu.memref_slice %arg4[%mul3A_2] : memref<16384xi32, #tpu.memory_space<hbm>> -> memref<512xi32, #tpu.memory_space<hbm>>
      tpu.wait_dma2 semaphore(%run_scoped3A : memref<!tpu.dma_semaphore, #tpu.memory_space<semaphore_mem>>) src(%dma_wait3A_48 : memref<512xi32, #tpu.memory_space<hbm>>) dst(%arg12 : memref<512xi32, #tpu.memory_space<vmem>>)
      tpu.yield
    }) : () -> ()
    %iota3A = tpu.iota {dimensions = array<i32: 0>} : vector<16xi32>
    %multiple_of3A = arith.constant 0 : i32
    %multiple_of3A_3 = tpu.assume_multiple %multiple_of3A, 128 : i32
    %dma_start3A = arith.constant 0 : i32
    %dma_start3A_4 = arith.constant 0 : i32
    %dma_start3A_5 = arith.constant 0 : i32
    %dma_start3A_6 = arith.constant 0 : i32
    %dma_start3A_7 = tpu.memref_slice %arg13[%dma_start3A, %dma_start3A_4, %dma_start3A_5, %dma_start3A_6] : memref<2x3x128x128xf32, #tpu.memory_space<vmem>> -> memref<1x1x128x128xf32, #tpu.memory_space<vmem>>
    %dma_start3A_8 = tpu.memref_squeeze %dma_start3A_7 : memref<1x1x128x128xf32, #tpu.memory_space<vmem>> -> memref<128x128xf32, #tpu.memory_space<vmem>>
    %dma_start3A_9 = tpu.memref_slice %arg10[%multiple_of3A_3] : memref<512xi32, #tpu.memory_space<vmem>> -> memref<128xi32, #tpu.memory_space<vmem>>
    %dma_start3A_10 = arith.constant 0 : i32
    %dma_start3A_11 = arith.constant 0 : i32
    %dma_start3A_12 = tpu.memref_slice %arg5[%dma_start3A_10, %dma_start3A_11] : memref<100000x128xf32, #tpu.memory_space<hbm>> -> memref<100000x128xf32, #tpu.memory_space<hbm>>
    tpu.enqueue_indirect_dma source(%dma_start3A_12 : memref<100000x128xf32, #tpu.memory_space<hbm>>) target(%dma_start3A_8 : memref<128x128xf32, #tpu.memory_space<vmem>>) offsets(%dma_start3A_9 : memref<128xi32, #tpu.memory_space<vmem>>) semaphore(%arg16 : memref<!tpu.dma_semaphore, #tpu.memory_space<semaphore_mem>>)
    %dma_start3A_13 = arith.constant 0 : i32
    %dma_start3A_14 = arith.constant 1 : i32
    %dma_start3A_15 = arith.constant 0 : i32
    %dma_start3A_16 = arith.constant 0 : i32
    %dma_start3A_17 = tpu.memref_slice %arg13[%dma_start3A_13, %dma_start3A_14, %dma_start3A_15, %dma_start3A_16] : memref<2x3x128x128xf32, #tpu.memory_space<vmem>> -> memref<1x1x128x128xf32, #tpu.memory_space<vmem>>
    %dma_start3A_18 = tpu.memref_squeeze %dma_start3A_17 : memref<1x1x128x128xf32, #tpu.memory_space<vmem>> -> memref<128x128xf32, #tpu.memory_space<vmem>>
    %dma_start3A_19 = tpu.memref_slice %arg12[%multiple_of3A_3] : memref<512xi32, #tpu.memory_space<vmem>> -> memref<128xi32, #tpu.memory_space<vmem>>
    %dma_start3A_20 = arith.constant 0 : i32
    %dma_start3A_21 = arith.constant 0 : i32
    %dma_start3A_22 = tpu.memref_slice %arg6[%dma_start3A_20, %dma_start3A_21] : memref<1000x128xf32, #tpu.memory_space<hbm>> -> memref<1000x128xf32, #tpu.memory_space<hbm>>
    tpu.enqueue_indirect_dma source(%dma_start3A_22 : memref<1000x128xf32, #tpu.memory_space<hbm>>) target(%dma_start3A_18 : memref<128x128xf32, #tpu.memory_space<vmem>>) offsets(%dma_start3A_19 : memref<128xi32, #tpu.memory_space<vmem>>) semaphore(%arg16 : memref<!tpu.dma_semaphore, #tpu.memory_space<semaphore_mem>>)
    %dma_start3A_23 = arith.constant 0 : i32
    %dma_start3A_24 = arith.constant 2 : i32
    %dma_start3A_25 = arith.constant 0 : i32
    %dma_start3A_26 = arith.constant 0 : i32
    %dma_start3A_27 = tpu.memref_slice %arg13[%dma_start3A_23, %dma_start3A_24, %dma_start3A_25, %dma_start3A_26] : memref<2x3x128x128xf32, #tpu.memory_space<vmem>> -> memref<1x1x128x128xf32, #tpu.memory_space<vmem>>
    %dma_start3A_28 = tpu.memref_squeeze %dma_start3A_27 : memref<1x1x128x128xf32, #tpu.memory_space<vmem>> -> memref<128x128xf32, #tpu.memory_space<vmem>>
    %dma_start3A_29 = tpu.memref_slice %arg11[%multiple_of3A_3] : memref<512xi32, #tpu.memory_space<vmem>> -> memref<128xi32, #tpu.memory_space<vmem>>
    %dma_start3A_30 = arith.constant 0 : i32
    %dma_start3A_31 = arith.constant 0 : i32
    %dma_start3A_32 = tpu.memref_slice %arg7[%dma_start3A_30, %dma_start3A_31] : memref<100000x128xf32, #tpu.memory_space<hbm>> -> memref<100000x128xf32, #tpu.memory_space<hbm>>
    tpu.enqueue_indirect_dma source(%dma_start3A_32 : memref<100000x128xf32, #tpu.memory_space<hbm>>) target(%dma_start3A_28 : memref<128x128xf32, #tpu.memory_space<vmem>>) offsets(%dma_start3A_29 : memref<128xi32, #tpu.memory_space<vmem>>) semaphore(%arg16 : memref<!tpu.dma_semaphore, #tpu.memory_space<semaphore_mem>>)
    %dma_start3A_33 = arith.constant 0 : i32
    %dma_start3A_34 = arith.constant 0 : i32
    %dma_start3A_35 = tpu.memref_slice %arg14[%dma_start3A_33, %dma_start3A_34] : memref<2x128xf32, #tpu.memory_space<vmem>> -> memref<1x128xf32, #tpu.memory_space<vmem>>
    %dma_start3A_36 = tpu.memref_squeeze %dma_start3A_35 : memref<1x128xf32, #tpu.memory_space<vmem>> -> memref<128xf32, #tpu.memory_space<vmem>>
    %dma_start3A_37 = tpu.memref_slice %arg11[%multiple_of3A_3] : memref<512xi32, #tpu.memory_space<vmem>> -> memref<128xi32, #tpu.memory_space<vmem>>
    %dma_start3A_38 = arith.constant 0 : i32
    %dma_start3A_39 = tpu.memref_slice %arg8[%dma_start3A_38] : memref<100000xf32, #tpu.memory_space<hbm>> -> memref<100000xf32, #tpu.memory_space<hbm>>
    tpu.enqueue_indirect_dma source(%dma_start3A_39 : memref<100000xf32, #tpu.memory_space<hbm>>) target(%dma_start3A_36 : memref<128xf32, #tpu.memory_space<vmem>>) offsets(%dma_start3A_37 : memref<128xi32, #tpu.memory_space<vmem>>) semaphore(%arg16 : memref<!tpu.dma_semaphore, #tpu.memory_space<semaphore_mem>>)
    %scan3A = arith.constant 0 : i32
    %scan3A_40 = arith.constant 0 : i32
    %scan3A_41 = arith.constant 32 : i32
    %scan3A_42 = arith.addi %scan3A_40, %scan3A_41 : i32
    %scan3A_43 = arith.constant 1 : i32
    %scan3A_44 = scf.for %scan3A_46 = %scan3A_40 to %scan3A_42 step %scan3A_43 iter_args(%scan3A_47 = %scan3A) -> (i32)  : i32 {
      %jit3A = arith.constant 8 : i32
      %div3A = arith.divsi %scan3A_46, %jit3A : i32
      %sign3A = arith.constant 0 : i32
      %sign3A_48 = arith.cmpi sgt, %scan3A_46, %sign3A : i32
      %sign3A_49 = arith.extui %sign3A_48 : i1 to i32
      %sign3A_50 = arith.constant 0 : i32
      %sign3A_51 = arith.cmpi slt, %scan3A_46, %sign3A_50 : i32
      %sign3A_52 = arith.extui %sign3A_51 : i1 to i32
      %sign3A_53 = arith.subi %sign3A_49, %sign3A_52 : i32
      %sign3A_54 = arith.constant 0 : i32
      %sign3A_55 = arith.cmpi sgt, %jit3A, %sign3A_54 : i32
      %sign3A_56 = arith.extui %sign3A_55 : i1 to i32
      %sign3A_57 = arith.constant 0 : i32
      %sign3A_58 = arith.cmpi slt, %jit3A, %sign3A_57 : i32
      %sign3A_59 = arith.extui %sign3A_58 : i1 to i32
      %sign3A_60 = arith.subi %sign3A_56, %sign3A_59 : i32
      %ne3A = arith.cmpi ne, %sign3A_53, %sign3A_60 : i32
      %rem3A = arith.remsi %scan3A_46, %jit3A : i32
      %ne3A_61 = arith.constant 0 : i32
      %ne3A_62 = arith.cmpi ne, %rem3A, %ne3A_61 : i32
      %and3A = arith.andi %ne3A, %ne3A_62 : i1
      %sub3A = arith.constant 1 : i32
      %sub3A_63 = arith.subi %div3A, %sub3A : i32
      %select_n3A = arith.select %and3A, %sub3A_63, %div3A : i32
      %rem3A_64 = arith.constant 2 : i32
      %rem3A_65 = arith.remsi %select_n3A, %rem3A_64 : i32
      %rem3A_66 = arith.constant 8 : i32
      %rem3A_67 = arith.remsi %scan3A_46, %rem3A_66 : i32
      %eq3A = arith.constant 0 : i32
      %eq3A_68 = arith.cmpi eq, %rem3A_67, %eq3A : i32
      %convert_element_type3A = arith.extui %eq3A_68 : i1 to i32
      %cond3A = arith.constant 0 : i32
      %cond3A_69 = arith.cmpi ne, %convert_element_type3A, %cond3A : i32
      scf.if %cond3A_69 {
        %eq3A_91 = arith.constant 0 : i32
        %eq3A_92 = arith.cmpi eq, %rem3A_65, %eq3A_91 : i32
        %convert_element_type3A_93 = arith.extui %eq3A_92 : i1 to i32
        %cond3A_94 = arith.constant 0 : i32
        %cond3A_95 = arith.cmpi ne, %convert_element_type3A_93, %cond3A_94 : i32
        scf.if %cond3A_95 {
          %dma_wait3A = arith.constant 0 : i32
          %dma_wait3A_107 = arith.constant 0 : i32
          %dma_wait3A_108 = arith.constant 0 : i32
          %dma_wait3A_109 = arith.constant 0 : i32
          %dma_wait3A_110 = tpu.memref_slice %arg13[%dma_wait3A, %dma_wait3A_107, %dma_wait3A_108, %dma_wait3A_109] : memref<2x3x128x128xf32, #tpu.memory_space<vmem>> -> memref<1x1x128x128xf32, #tpu.memory_space<vmem>>
          %dma_wait3A_111 = tpu.memref_squeeze %dma_wait3A_110 : memref<1x1x128x128xf32, #tpu.memory_space<vmem>> -> memref<128x128xf32, #tpu.memory_space<vmem>>
          %dma_wait3A_112 = arith.constant 0 : i32
          %dma_wait3A_113 = arith.constant 0 : i32
          %dma_wait3A_114 = tpu.memref_slice %arg5[%dma_wait3A_112, %dma_wait3A_113] : memref<100000x128xf32, #tpu.memory_space<hbm>> -> memref<128x128xf32, #tpu.memory_space<hbm>>
          %dma_wait3A_115 = arith.constant 0 : i32
          %dma_wait3A_116 = arith.constant 0 : i32
          %dma_wait3A_117 = tpu.memref_slice %arg13[%dma_wait3A, %dma_wait3A_107, %dma_wait3A_115, %dma_wait3A_116] : memref<2x3x128x128xf32, #tpu.memory_space<vmem>> -> memref<1x1x128x128xf32, #tpu.memory_space<vmem>>
          %dma_wait3A_118 = tpu.memref_squeeze %dma_wait3A_117 : memref<1x1x128x128xf32, #tpu.memory_space<vmem>> -> memref<128x128xf32, #tpu.memory_space<vmem>>
          %dma_wait3A_119 = arith.constant 0 : i32
          %dma_wait3A_120 = arith.constant 0 : i32
          %dma_wait3A_121 = tpu.memref_slice %arg5[%dma_wait3A_119, %dma_wait3A_120] : memref<100000x128xf32, #tpu.memory_space<hbm>> -> memref<128x128xf32, #tpu.memory_space<hbm>>
          tpu.wait_dma2 semaphore(%arg16 : memref<!tpu.dma_semaphore, #tpu.memory_space<semaphore_mem>>) src(%dma_wait3A_121 : memref<128x128xf32, #tpu.memory_space<hbm>>) dst(%dma_wait3A_118 : memref<128x128xf32, #tpu.memory_space<vmem>>)
          %dma_wait3A_122 = arith.constant 0 : i32
          %dma_wait3A_123 = arith.constant 1 : i32
          %dma_wait3A_124 = arith.constant 0 : i32
          %dma_wait3A_125 = arith.constant 0 : i32
          %dma_wait3A_126 = tpu.memref_slice %arg13[%dma_wait3A_122, %dma_wait3A_123, %dma_wait3A_124, %dma_wait3A_125] : memref<2x3x128x128xf32, #tpu.memory_space<vmem>> -> memref<1x1x128x128xf32, #tpu.memory_space<vmem>>
          %dma_wait3A_127 = tpu.memref_squeeze %dma_wait3A_126 : memref<1x1x128x128xf32, #tpu.memory_space<vmem>> -> memref<128x128xf32, #tpu.memory_space<vmem>>
          %dma_wait3A_128 = arith.constant 0 : i32
          %dma_wait3A_129 = arith.constant 0 : i32
          %dma_wait3A_130 = tpu.memref_slice %arg6[%dma_wait3A_128, %dma_wait3A_129] : memref<1000x128xf32, #tpu.memory_space<hbm>> -> memref<128x128xf32, #tpu.memory_space<hbm>>
          %dma_wait3A_131 = arith.constant 0 : i32
          %dma_wait3A_132 = arith.constant 0 : i32
          %dma_wait3A_133 = tpu.memref_slice %arg13[%dma_wait3A_122, %dma_wait3A_123, %dma_wait3A_131, %dma_wait3A_132] : memref<2x3x128x128xf32, #tpu.memory_space<vmem>> -> memref<1x1x128x128xf32, #tpu.memory_space<vmem>>
          %dma_wait3A_134 = tpu.memref_squeeze %dma_wait3A_133 : memref<1x1x128x128xf32, #tpu.memory_space<vmem>> -> memref<128x128xf32, #tpu.memory_space<vmem>>
          %dma_wait3A_135 = arith.constant 0 : i32
          %dma_wait3A_136 = arith.constant 0 : i32
          %dma_wait3A_137 = tpu.memref_slice %arg6[%dma_wait3A_135, %dma_wait3A_136] : memref<1000x128xf32, #tpu.memory_space<hbm>> -> memref<128x128xf32, #tpu.memory_space<hbm>>
          tpu.wait_dma2 semaphore(%arg16 : memref<!tpu.dma_semaphore, #tpu.memory_space<semaphore_mem>>) src(%dma_wait3A_137 : memref<128x128xf32, #tpu.memory_space<hbm>>) dst(%dma_wait3A_134 : memref<128x128xf32, #tpu.memory_space<vmem>>)
          %dma_wait3A_138 = arith.constant 0 : i32
          %dma_wait3A_139 = arith.constant 2 : i32
          %dma_wait3A_140 = arith.constant 0 : i32
          %dma_wait3A_141 = arith.constant 0 : i32
          %dma_wait3A_142 = tpu.memref_slice %arg13[%dma_wait3A_138, %dma_wait3A_139, %dma_wait3A_140, %dma_wait3A_141] : memref<2x3x128x128xf32, #tpu.memory_space<vmem>> -> memref<1x1x128x128xf32, #tpu.memory_space<vmem>>
          %dma_wait3A_143 = tpu.memref_squeeze %dma_wait3A_142 : memref<1x1x128x128xf32, #tpu.memory_space<vmem>> -> memref<128x128xf32, #tpu.memory_space<vmem>>
          %dma_wait3A_144 = arith.constant 0 : i32
          %dma_wait3A_145 = arith.constant 0 : i32
          %dma_wait3A_146 = tpu.memref_slice %arg7[%dma_wait3A_144, %dma_wait3A_145] : memref<100000x128xf32, #tpu.memory_space<hbm>> -> memref<128x128xf32, #tpu.memory_space<hbm>>
          %dma_wait3A_147 = arith.constant 0 : i32
          %dma_wait3A_148 = arith.constant 0 : i32
          %dma_wait3A_149 = tpu.memref_slice %arg13[%dma_wait3A_138, %dma_wait3A_139, %dma_wait3A_147, %dma_wait3A_148] : memref<2x3x128x128xf32, #tpu.memory_space<vmem>> -> memref<1x1x128x128xf32, #tpu.memory_space<vmem>>
          %dma_wait3A_150 = tpu.memref_squeeze %dma_wait3A_149 : memref<1x1x128x128xf32, #tpu.memory_space<vmem>> -> memref<128x128xf32, #tpu.memory_space<vmem>>
          %dma_wait3A_151 = arith.constant 0 : i32
          %dma_wait3A_152 = arith.constant 0 : i32
          %dma_wait3A_153 = tpu.memref_slice %arg7[%dma_wait3A_151, %dma_wait3A_152] : memref<100000x128xf32, #tpu.memory_space<hbm>> -> memref<128x128xf32, #tpu.memory_space<hbm>>
          tpu.wait_dma2 semaphore(%arg16 : memref<!tpu.dma_semaphore, #tpu.memory_space<semaphore_mem>>) src(%dma_wait3A_153 : memref<128x128xf32, #tpu.memory_space<hbm>>) dst(%dma_wait3A_150 : memref<128x128xf32, #tpu.memory_space<vmem>>)
          %dma_wait3A_154 = arith.constant 0 : i32
          %dma_wait3A_155 = arith.constant 0 : i32
          %dma_wait3A_156 = tpu.memref_slice %arg14[%dma_wait3A_154, %dma_wait3A_155] : memref<2x128xf32, #tpu.memory_space<vmem>> -> memref<1x128xf32, #tpu.memory_space<vmem>>
          %dma_wait3A_157 = tpu.memref_squeeze %dma_wait3A_156 : memref<1x128xf32, #tpu.memory_space<vmem>> -> memref<128xf32, #tpu.memory_space<vmem>>
          %dma_wait3A_158 = arith.constant 0 : i32
          %dma_wait3A_159 = tpu.memref_slice %arg8[%dma_wait3A_158] : memref<100000xf32, #tpu.memory_space<hbm>> -> memref<128xf32, #tpu.memory_space<hbm>>
          %dma_wait3A_160 = arith.constant 0 : i32
          %dma_wait3A_161 = tpu.memref_slice %arg14[%dma_wait3A_154, %dma_wait3A_160] : memref<2x128xf32, #tpu.memory_space<vmem>> -> memref<1x128xf32, #tpu.memory_space<vmem>>
          %dma_wait3A_162 = tpu.memref_squeeze %dma_wait3A_161 : memref<1x128xf32, #tpu.memory_space<vmem>> -> memref<128xf32, #tpu.memory_space<vmem>>
          %dma_wait3A_163 = arith.constant 0 : i32
          %dma_wait3A_164 = tpu.memref_slice %arg8[%dma_wait3A_163] : memref<100000xf32, #tpu.memory_space<hbm>> -> memref<128xf32, #tpu.memory_space<hbm>>
          tpu.wait_dma2 semaphore(%arg16 : memref<!tpu.dma_semaphore, #tpu.memory_space<semaphore_mem>>) src(%dma_wait3A_164 : memref<128xf32, #tpu.memory_space<hbm>>) dst(%dma_wait3A_162 : memref<128xf32, #tpu.memory_space<vmem>>)
        } else {
        }
        %eq3A_96 = arith.constant 1 : i32
        %eq3A_97 = arith.cmpi eq, %rem3A_65, %eq3A_96 : i32
        %convert_element_type3A_98 = arith.extui %eq3A_97 : i1 to i32
        %cond3A_99 = arith.constant 0 : i32
        %cond3A_100 = arith.cmpi ne, %convert_element_type3A_98, %cond3A_99 : i32
        scf.if %cond3A_100 {
          %dma_wait3A = arith.constant 1 : i32
          %dma_wait3A_107 = arith.constant 0 : i32
          %dma_wait3A_108 = arith.constant 0 : i32
          %dma_wait3A_109 = arith.constant 0 : i32
          %dma_wait3A_110 = tpu.memref_slice %arg13[%dma_wait3A, %dma_wait3A_107, %dma_wait3A_108, %dma_wait3A_109] : memref<2x3x128x128xf32, #tpu.memory_space<vmem>> -> memref<1x1x128x128xf32, #tpu.memory_space<vmem>>
          %dma_wait3A_111 = tpu.memref_squeeze %dma_wait3A_110 : memref<1x1x128x128xf32, #tpu.memory_space<vmem>> -> memref<128x128xf32, #tpu.memory_space<vmem>>
          %dma_wait3A_112 = arith.constant 0 : i32
          %dma_wait3A_113 = arith.constant 0 : i32
          %dma_wait3A_114 = tpu.memref_slice %arg5[%dma_wait3A_112, %dma_wait3A_113] : memref<100000x128xf32, #tpu.memory_space<hbm>> -> memref<128x128xf32, #tpu.memory_space<hbm>>
          %dma_wait3A_115 = arith.constant 0 : i32
          %dma_wait3A_116 = arith.constant 0 : i32
          %dma_wait3A_117 = tpu.memref_slice %arg13[%dma_wait3A, %dma_wait3A_107, %dma_wait3A_115, %dma_wait3A_116] : memref<2x3x128x128xf32, #tpu.memory_space<vmem>> -> memref<1x1x128x128xf32, #tpu.memory_space<vmem>>
          %dma_wait3A_118 = tpu.memref_squeeze %dma_wait3A_117 : memref<1x1x128x128xf32, #tpu.memory_space<vmem>> -> memref<128x128xf32, #tpu.memory_space<vmem>>
          %dma_wait3A_119 = arith.constant 0 : i32
          %dma_wait3A_120 = arith.constant 0 : i32
          %dma_wait3A_121 = tpu.memref_slice %arg5[%dma_wait3A_119, %dma_wait3A_120] : memref<100000x128xf32, #tpu.memory_space<hbm>> -> memref<128x128xf32, #tpu.memory_space<hbm>>
          tpu.wait_dma2 semaphore(%arg17 : memref<!tpu.dma_semaphore, #tpu.memory_space<semaphore_mem>>) src(%dma_wait3A_121 : memref<128x128xf32, #tpu.memory_space<hbm>>) dst(%dma_wait3A_118 : memref<128x128xf32, #tpu.memory_space<vmem>>)
          %dma_wait3A_122 = arith.constant 1 : i32
          %dma_wait3A_123 = arith.constant 1 : i32
          %dma_wait3A_124 = arith.constant 0 : i32
          %dma_wait3A_125 = arith.constant 0 : i32
          %dma_wait3A_126 = tpu.memref_slice %arg13[%dma_wait3A_122, %dma_wait3A_123, %dma_wait3A_124, %dma_wait3A_125] : memref<2x3x128x128xf32, #tpu.memory_space<vmem>> -> memref<1x1x128x128xf32, #tpu.memory_space<vmem>>
          %dma_wait3A_127 = tpu.memref_squeeze %dma_wait3A_126 : memref<1x1x128x128xf32, #tpu.memory_space<vmem>> -> memref<128x128xf32, #tpu.memory_space<vmem>>
          %dma_wait3A_128 = arith.constant 0 : i32
          %dma_wait3A_129 = arith.constant 0 : i32
          %dma_wait3A_130 = tpu.memref_slice %arg6[%dma_wait3A_128, %dma_wait3A_129] : memref<1000x128xf32, #tpu.memory_space<hbm>> -> memref<128x128xf32, #tpu.memory_space<hbm>>
          %dma_wait3A_131 = arith.constant 0 : i32
          %dma_wait3A_132 = arith.constant 0 : i32
          %dma_wait3A_133 = tpu.memref_slice %arg13[%dma_wait3A_122, %dma_wait3A_123, %dma_wait3A_131, %dma_wait3A_132] : memref<2x3x128x128xf32, #tpu.memory_space<vmem>> -> memref<1x1x128x128xf32, #tpu.memory_space<vmem>>
          %dma_wait3A_134 = tpu.memref_squeeze %dma_wait3A_133 : memref<1x1x128x128xf32, #tpu.memory_space<vmem>> -> memref<128x128xf32, #tpu.memory_space<vmem>>
          %dma_wait3A_135 = arith.constant 0 : i32
          %dma_wait3A_136 = arith.constant 0 : i32
          %dma_wait3A_137 = tpu.memref_slice %arg6[%dma_wait3A_135, %dma_wait3A_136] : memref<1000x128xf32, #tpu.memory_space<hbm>> -> memref<128x128xf32, #tpu.memory_space<hbm>>
          tpu.wait_dma2 semaphore(%arg17 : memref<!tpu.dma_semaphore, #tpu.memory_space<semaphore_mem>>) src(%dma_wait3A_137 : memref<128x128xf32, #tpu.memory_space<hbm>>) dst(%dma_wait3A_134 : memref<128x128xf32, #tpu.memory_space<vmem>>)
          %dma_wait3A_138 = arith.constant 1 : i32
          %dma_wait3A_139 = arith.constant 2 : i32
          %dma_wait3A_140 = arith.constant 0 : i32
          %dma_wait3A_141 = arith.constant 0 : i32
          %dma_wait3A_142 = tpu.memref_slice %arg13[%dma_wait3A_138, %dma_wait3A_139, %dma_wait3A_140, %dma_wait3A_141] : memref<2x3x128x128xf32, #tpu.memory_space<vmem>> -> memref<1x1x128x128xf32, #tpu.memory_space<vmem>>
          %dma_wait3A_143 = tpu.memref_squeeze %dma_wait3A_142 : memref<1x1x128x128xf32, #tpu.memory_space<vmem>> -> memref<128x128xf32, #tpu.memory_space<vmem>>
          %dma_wait3A_144 = arith.constant 0 : i32
          %dma_wait3A_145 = arith.constant 0 : i32
          %dma_wait3A_146 = tpu.memref_slice %arg7[%dma_wait3A_144, %dma_wait3A_145] : memref<100000x128xf32, #tpu.memory_space<hbm>> -> memref<128x128xf32, #tpu.memory_space<hbm>>
          %dma_wait3A_147 = arith.constant 0 : i32
          %dma_wait3A_148 = arith.constant 0 : i32
          %dma_wait3A_149 = tpu.memref_slice %arg13[%dma_wait3A_138, %dma_wait3A_139, %dma_wait3A_147, %dma_wait3A_148] : memref<2x3x128x128xf32, #tpu.memory_space<vmem>> -> memref<1x1x128x128xf32, #tpu.memory_space<vmem>>
          %dma_wait3A_150 = tpu.memref_squeeze %dma_wait3A_149 : memref<1x1x128x128xf32, #tpu.memory_space<vmem>> -> memref<128x128xf32, #tpu.memory_space<vmem>>
          %dma_wait3A_151 = arith.constant 0 : i32
          %dma_wait3A_152 = arith.constant 0 : i32
          %dma_wait3A_153 = tpu.memref_slice %arg7[%dma_wait3A_151, %dma_wait3A_152] : memref<100000x128xf32, #tpu.memory_space<hbm>> -> memref<128x128xf32, #tpu.memory_space<hbm>>
          tpu.wait_dma2 semaphore(%arg17 : memref<!tpu.dma_semaphore, #tpu.memory_space<semaphore_mem>>) src(%dma_wait3A_153 : memref<128x128xf32, #tpu.memory_space<hbm>>) dst(%dma_wait3A_150 : memref<128x128xf32, #tpu.memory_space<vmem>>)
          %dma_wait3A_154 = arith.constant 1 : i32
          %dma_wait3A_155 = arith.constant 0 : i32
          %dma_wait3A_156 = tpu.memref_slice %arg14[%dma_wait3A_154, %dma_wait3A_155] : memref<2x128xf32, #tpu.memory_space<vmem>> -> memref<1x128xf32, #tpu.memory_space<vmem>>
          %dma_wait3A_157 = tpu.memref_squeeze %dma_wait3A_156 : memref<1x128xf32, #tpu.memory_space<vmem>> -> memref<128xf32, #tpu.memory_space<vmem>>
          %dma_wait3A_158 = arith.constant 0 : i32
          %dma_wait3A_159 = tpu.memref_slice %arg8[%dma_wait3A_158] : memref<100000xf32, #tpu.memory_space<hbm>> -> memref<128xf32, #tpu.memory_space<hbm>>
          %dma_wait3A_160 = arith.constant 0 : i32
          %dma_wait3A_161 = tpu.memref_slice %arg14[%dma_wait3A_154, %dma_wait3A_160] : memref<2x128xf32, #tpu.memory_space<vmem>> -> memref<1x128xf32, #tpu.memory_space<vmem>>
          %dma_wait3A_162 = tpu.memref_squeeze %dma_wait3A_161 : memref<1x128xf32, #tpu.memory_space<vmem>> -> memref<128xf32, #tpu.memory_space<vmem>>
          %dma_wait3A_163 = arith.constant 0 : i32
          %dma_wait3A_164 = tpu.memref_slice %arg8[%dma_wait3A_163] : memref<100000xf32, #tpu.memory_space<hbm>> -> memref<128xf32, #tpu.memory_space<hbm>>
          tpu.wait_dma2 semaphore(%arg17 : memref<!tpu.dma_semaphore, #tpu.memory_space<semaphore_mem>>) src(%dma_wait3A_164 : memref<128xf32, #tpu.memory_space<hbm>>) dst(%dma_wait3A_162 : memref<128xf32, #tpu.memory_space<vmem>>)
        } else {
        }
        %add3A_101 = arith.constant 1 : i32
        %add3A_102 = arith.addi %select_n3A, %add3A_101 : i32
        %lt3A = arith.constant 4 : i32
        %lt3A_103 = arith.cmpi slt, %add3A_102, %lt3A : i32
        %convert_element_type3A_104 = arith.extui %lt3A_103 : i1 to i32
        %cond3A_105 = arith.constant 0 : i32
        %cond3A_106 = arith.cmpi ne, %convert_element_type3A_104, %cond3A_105 : i32
        scf.if %cond3A_106 {
          %eq3A_107 = arith.constant 0 : i32
          %eq3A_108 = arith.cmpi eq, %rem3A_65, %eq3A_107 : i32
          %convert_element_type3A_109 = arith.extui %eq3A_108 : i1 to i32
          %cond3A_110 = arith.constant 0 : i32
          %cond3A_111 = arith.cmpi ne, %convert_element_type3A_109, %cond3A_110 : i32
          scf.if %cond3A_111 {
            %add3A_117 = arith.constant 1 : i32
            %add3A_118 = arith.addi %select_n3A, %add3A_117 : i32
            %mul3A_119 = arith.constant 128 : i32
            %mul3A_120 = arith.muli %add3A_118, %mul3A_119 : i32
            %multiple_of3A_121 = tpu.assume_multiple %mul3A_120, 128 : i32
            %dma_start3A_122 = arith.constant 1 : i32
            %dma_start3A_123 = arith.constant 0 : i32
            %dma_start3A_124 = arith.constant 0 : i32
            %dma_start3A_125 = arith.constant 0 : i32
            %dma_start3A_126 = tpu.memref_slice %arg13[%dma_start3A_122, %dma_start3A_123, %dma_start3A_124, %dma_start3A_125] : memref<2x3x128x128xf32, #tpu.memory_space<vmem>> -> memref<1x1x128x128xf32, #tpu.memory_space<vmem>>
            %dma_start3A_127 = tpu.memref_squeeze %dma_start3A_126 : memref<1x1x128x128xf32, #tpu.memory_space<vmem>> -> memref<128x128xf32, #tpu.memory_space<vmem>>
            %dma_start3A_128 = tpu.memref_slice %arg10[%multiple_of3A_121] : memref<512xi32, #tpu.memory_space<vmem>> -> memref<128xi32, #tpu.memory_space<vmem>>
            %dma_start3A_129 = arith.constant 0 : i32
            %dma_start3A_130 = arith.constant 0 : i32
            %dma_start3A_131 = tpu.memref_slice %arg5[%dma_start3A_129, %dma_start3A_130] : memref<100000x128xf32, #tpu.memory_space<hbm>> -> memref<100000x128xf32, #tpu.memory_space<hbm>>
            tpu.enqueue_indirect_dma source(%dma_start3A_131 : memref<100000x128xf32, #tpu.memory_space<hbm>>) target(%dma_start3A_127 : memref<128x128xf32, #tpu.memory_space<vmem>>) offsets(%dma_start3A_128 : memref<128xi32, #tpu.memory_space<vmem>>) semaphore(%arg17 : memref<!tpu.dma_semaphore, #tpu.memory_space<semaphore_mem>>)
            %dma_start3A_132 = arith.constant 1 : i32
            %dma_start3A_133 = arith.constant 1 : i32
            %dma_start3A_134 = arith.constant 0 : i32
            %dma_start3A_135 = arith.constant 0 : i32
            %dma_start3A_136 = tpu.memref_slice %arg13[%dma_start3A_132, %dma_start3A_133, %dma_start3A_134, %dma_start3A_135] : memref<2x3x128x128xf32, #tpu.memory_space<vmem>> -> memref<1x1x128x128xf32, #tpu.memory_space<vmem>>
            %dma_start3A_137 = tpu.memref_squeeze %dma_start3A_136 : memref<1x1x128x128xf32, #tpu.memory_space<vmem>> -> memref<128x128xf32, #tpu.memory_space<vmem>>
            %dma_start3A_138 = tpu.memref_slice %arg12[%multiple_of3A_121] : memref<512xi32, #tpu.memory_space<vmem>> -> memref<128xi32, #tpu.memory_space<vmem>>
            %dma_start3A_139 = arith.constant 0 : i32
            %dma_start3A_140 = arith.constant 0 : i32
            %dma_start3A_141 = tpu.memref_slice %arg6[%dma_start3A_139, %dma_start3A_140] : memref<1000x128xf32, #tpu.memory_space<hbm>> -> memref<1000x128xf32, #tpu.memory_space<hbm>>
            tpu.enqueue_indirect_dma source(%dma_start3A_141 : memref<1000x128xf32, #tpu.memory_space<hbm>>) target(%dma_start3A_137 : memref<128x128xf32, #tpu.memory_space<vmem>>) offsets(%dma_start3A_138 : memref<128xi32, #tpu.memory_space<vmem>>) semaphore(%arg17 : memref<!tpu.dma_semaphore, #tpu.memory_space<semaphore_mem>>)
            %dma_start3A_142 = arith.constant 1 : i32
            %dma_start3A_143 = arith.constant 2 : i32
            %dma_start3A_144 = arith.constant 0 : i32
            %dma_start3A_145 = arith.constant 0 : i32
            %dma_start3A_146 = tpu.memref_slice %arg13[%dma_start3A_142, %dma_start3A_143, %dma_start3A_144, %dma_start3A_145] : memref<2x3x128x128xf32, #tpu.memory_space<vmem>> -> memref<1x1x128x128xf32, #tpu.memory_space<vmem>>
            %dma_start3A_147 = tpu.memref_squeeze %dma_start3A_146 : memref<1x1x128x128xf32, #tpu.memory_space<vmem>> -> memref<128x128xf32, #tpu.memory_space<vmem>>
            %dma_start3A_148 = tpu.memref_slice %arg11[%multiple_of3A_121] : memref<512xi32, #tpu.memory_space<vmem>> -> memref<128xi32, #tpu.memory_space<vmem>>
            %dma_start3A_149 = arith.constant 0 : i32
            %dma_start3A_150 = arith.constant 0 : i32
            %dma_start3A_151 = tpu.memref_slice %arg7[%dma_start3A_149, %dma_start3A_150] : memref<100000x128xf32, #tpu.memory_space<hbm>> -> memref<100000x128xf32, #tpu.memory_space<hbm>>
            tpu.enqueue_indirect_dma source(%dma_start3A_151 : memref<100000x128xf32, #tpu.memory_space<hbm>>) target(%dma_start3A_147 : memref<128x128xf32, #tpu.memory_space<vmem>>) offsets(%dma_start3A_148 : memref<128xi32, #tpu.memory_space<vmem>>) semaphore(%arg17 : memref<!tpu.dma_semaphore, #tpu.memory_space<semaphore_mem>>)
            %dma_start3A_152 = arith.constant 1 : i32
            %dma_start3A_153 = arith.constant 0 : i32
            %dma_start3A_154 = tpu.memref_slice %arg14[%dma_start3A_152, %dma_start3A_153] : memref<2x128xf32, #tpu.memory_space<vmem>> -> memref<1x128xf32, #tpu.memory_space<vmem>>
            %dma_start3A_155 = tpu.memref_squeeze %dma_start3A_154 : memref<1x128xf32, #tpu.memory_space<vmem>> -> memref<128xf32, #tpu.memory_space<vmem>>
            %dma_start3A_156 = tpu.memref_slice %arg11[%multiple_of3A_121] : memref<512xi32, #tpu.memory_space<vmem>> -> memref<128xi32, #tpu.memory_space<vmem>>
            %dma_start3A_157 = arith.constant 0 : i32
            %dma_start3A_158 = tpu.memref_slice %arg8[%dma_start3A_157] : memref<100000xf32, #tpu.memory_space<hbm>> -> memref<100000xf32, #tpu.memory_space<hbm>>
            tpu.enqueue_indirect_dma source(%dma_start3A_158 : memref<100000xf32, #tpu.memory_space<hbm>>) target(%dma_start3A_155 : memref<128xf32, #tpu.memory_space<vmem>>) offsets(%dma_start3A_156 : memref<128xi32, #tpu.memory_space<vmem>>) semaphore(%arg17 : memref<!tpu.dma_semaphore, #tpu.memory_space<semaphore_mem>>)
          } else {
          }
          %eq3A_112 = arith.constant 1 : i32
          %eq3A_113 = arith.cmpi eq, %rem3A_65, %eq3A_112 : i32
          %convert_element_type3A_114 = arith.extui %eq3A_113 : i1 to i32
          %cond3A_115 = arith.constant 0 : i32
          %cond3A_116 = arith.cmpi ne, %convert_element_type3A_114, %cond3A_115 : i32
          scf.if %cond3A_116 {
            %add3A_117 = arith.constant 1 : i32
            %add3A_118 = arith.addi %select_n3A, %add3A_117 : i32
            %mul3A_119 = arith.constant 128 : i32
            %mul3A_120 = arith.muli %add3A_118, %mul3A_119 : i32
            %multiple_of3A_121 = tpu.assume_multiple %mul3A_120, 128 : i32
            %dma_start3A_122 = arith.constant 0 : i32
            %dma_start3A_123 = arith.constant 0 : i32
            %dma_start3A_124 = arith.constant 0 : i32
            %dma_start3A_125 = arith.constant 0 : i32
            %dma_start3A_126 = tpu.memref_slice %arg13[%dma_start3A_122, %dma_start3A_123, %dma_start3A_124, %dma_start3A_125] : memref<2x3x128x128xf32, #tpu.memory_space<vmem>> -> memref<1x1x128x128xf32, #tpu.memory_space<vmem>>
            %dma_start3A_127 = tpu.memref_squeeze %dma_start3A_126 : memref<1x1x128x128xf32, #tpu.memory_space<vmem>> -> memref<128x128xf32, #tpu.memory_space<vmem>>
            %dma_start3A_128 = tpu.memref_slice %arg10[%multiple_of3A_121] : memref<512xi32, #tpu.memory_space<vmem>> -> memref<128xi32, #tpu.memory_space<vmem>>
            %dma_start3A_129 = arith.constant 0 : i32
            %dma_start3A_130 = arith.constant 0 : i32
            %dma_start3A_131 = tpu.memref_slice %arg5[%dma_start3A_129, %dma_start3A_130] : memref<100000x128xf32, #tpu.memory_space<hbm>> -> memref<100000x128xf32, #tpu.memory_space<hbm>>
            tpu.enqueue_indirect_dma source(%dma_start3A_131 : memref<100000x128xf32, #tpu.memory_space<hbm>>) target(%dma_start3A_127 : memref<128x128xf32, #tpu.memory_space<vmem>>) offsets(%dma_start3A_128 : memref<128xi32, #tpu.memory_space<vmem>>) semaphore(%arg16 : memref<!tpu.dma_semaphore, #tpu.memory_space<semaphore_mem>>)
            %dma_start3A_132 = arith.constant 0 : i32
            %dma_start3A_133 = arith.constant 1 : i32
            %dma_start3A_134 = arith.constant 0 : i32
            %dma_start3A_135 = arith.constant 0 : i32
            %dma_start3A_136 = tpu.memref_slice %arg13[%dma_start3A_132, %dma_start3A_133, %dma_start3A_134, %dma_start3A_135] : memref<2x3x128x128xf32, #tpu.memory_space<vmem>> -> memref<1x1x128x128xf32, #tpu.memory_space<vmem>>
            %dma_start3A_137 = tpu.memref_squeeze %dma_start3A_136 : memref<1x1x128x128xf32, #tpu.memory_space<vmem>> -> memref<128x128xf32, #tpu.memory_space<vmem>>
            %dma_start3A_138 = tpu.memref_slice %arg12[%multiple_of3A_121] : memref<512xi32, #tpu.memory_space<vmem>> -> memref<128xi32, #tpu.memory_space<vmem>>
            %dma_start3A_139 = arith.constant 0 : i32
            %dma_start3A_140 = arith.constant 0 : i32
            %dma_start3A_141 = tpu.memref_slice %arg6[%dma_start3A_139, %dma_start3A_140] : memref<1000x128xf32, #tpu.memory_space<hbm>> -> memref<1000x128xf32, #tpu.memory_space<hbm>>
            tpu.enqueue_indirect_dma source(%dma_start3A_141 : memref<1000x128xf32, #tpu.memory_space<hbm>>) target(%dma_start3A_137 : memref<128x128xf32, #tpu.memory_space<vmem>>) offsets(%dma_start3A_138 : memref<128xi32, #tpu.memory_space<vmem>>) semaphore(%arg16 : memref<!tpu.dma_semaphore, #tpu.memory_space<semaphore_mem>>)
            %dma_start3A_142 = arith.constant 0 : i32
            %dma_start3A_143 = arith.constant 2 : i32
            %dma_start3A_144 = arith.constant 0 : i32
            %dma_start3A_145 = arith.constant 0 : i32
            %dma_start3A_146 = tpu.memref_slice %arg13[%dma_start3A_142, %dma_start3A_143, %dma_start3A_144, %dma_start3A_145] : memref<2x3x128x128xf32, #tpu.memory_space<vmem>> -> memref<1x1x128x128xf32, #tpu.memory_space<vmem>>
            %dma_start3A_147 = tpu.memref_squeeze %dma_start3A_146 : memref<1x1x128x128xf32, #tpu.memory_space<vmem>> -> memref<128x128xf32, #tpu.memory_space<vmem>>
            %dma_start3A_148 = tpu.memref_slice %arg11[%multiple_of3A_121] : memref<512xi32, #tpu.memory_space<vmem>> -> memref<128xi32, #tpu.memory_space<vmem>>
            %dma_start3A_149 = arith.constant 0 : i32
            %dma_start3A_150 = arith.constant 0 : i32
            %dma_start3A_151 = tpu.memref_slice %arg7[%dma_start3A_149, %dma_start3A_150] : memref<100000x128xf32, #tpu.memory_space<hbm>> -> memref<100000x128xf32, #tpu.memory_space<hbm>>
            tpu.enqueue_indirect_dma source(%dma_start3A_151 : memref<100000x128xf32, #tpu.memory_space<hbm>>) target(%dma_start3A_147 : memref<128x128xf32, #tpu.memory_space<vmem>>) offsets(%dma_start3A_148 : memref<128xi32, #tpu.memory_space<vmem>>) semaphore(%arg16 : memref<!tpu.dma_semaphore, #tpu.memory_space<semaphore_mem>>)
            %dma_start3A_152 = arith.constant 0 : i32
            %dma_start3A_153 = arith.constant 0 : i32
            %dma_start3A_154 = tpu.memref_slice %arg14[%dma_start3A_152, %dma_start3A_153] : memref<2x128xf32, #tpu.memory_space<vmem>> -> memref<1x128xf32, #tpu.memory_space<vmem>>
            %dma_start3A_155 = tpu.memref_squeeze %dma_start3A_154 : memref<1x128xf32, #tpu.memory_space<vmem>> -> memref<128xf32, #tpu.memory_space<vmem>>
            %dma_start3A_156 = tpu.memref_slice %arg11[%multiple_of3A_121] : memref<512xi32, #tpu.memory_space<vmem>> -> memref<128xi32, #tpu.memory_space<vmem>>
            %dma_start3A_157 = arith.constant 0 : i32
            %dma_start3A_158 = tpu.memref_slice %arg8[%dma_start3A_157] : memref<100000xf32, #tpu.memory_space<hbm>> -> memref<100000xf32, #tpu.memory_space<hbm>>
            tpu.enqueue_indirect_dma source(%dma_start3A_158 : memref<100000xf32, #tpu.memory_space<hbm>>) target(%dma_start3A_155 : memref<128xf32, #tpu.memory_space<vmem>>) offsets(%dma_start3A_156 : memref<128xi32, #tpu.memory_space<vmem>>) semaphore(%arg16 : memref<!tpu.dma_semaphore, #tpu.memory_space<semaphore_mem>>)
          } else {
          }
        } else {
        }
      } else {
      }
      %rem3A_70 = arith.constant 8 : i32
      %rem3A_71 = arith.remsi %scan3A_46, %rem3A_70 : i32
      %mul3A_72 = arith.constant 16 : i32
      %mul3A_73 = arith.muli %rem3A_71, %mul3A_72 : i32
      %broadcast_in_dim3A = arith.constant 0.000000e+00 : f32
      %broadcast_in_dim3A_74 = vector.broadcast %broadcast_in_dim3A : f32 to vector<16xf32>
      %scan3A_75 = arith.constant 0 : i32
      %scan3A_76 = arith.constant 8 : i32
      %scan3A_77 = arith.addi %scan3A_75, %scan3A_76 : i32
      %scan3A_78 = arith.constant 2 : i32
      %scan3A_79 = scf.for %scan3A_91 = %scan3A_75 to %scan3A_77 step %scan3A_78 iter_args(%scan3A_92 = %broadcast_in_dim3A_74) -> (vector<16xf32>)  : i32 {
        %add3A_93 = arith.addi %mul3A_73, %scan3A_91 : i32
        %broadcast_in_dim3A_94 = arith.constant 0.000000e+00 : f32
        %broadcast_in_dim3A_95 = vector.broadcast %broadcast_in_dim3A_94 : f32 to vector<16xf32>
        %broadcast_in_dim3A_96 = arith.constant 0.000000e+00 : f32
        %broadcast_in_dim3A_97 = vector.broadcast %broadcast_in_dim3A_96 : f32 to vector<16xf32>
        %broadcast_in_dim3A_98 = arith.constant 0.000000e+00 : f32
        %broadcast_in_dim3A_99 = vector.broadcast %broadcast_in_dim3A_98 : f32 to vector<16xf32>
        %broadcast_in_dim3A_100 = arith.constant 0.000000e+00 : f32
        %broadcast_in_dim3A_101 = vector.broadcast %broadcast_in_dim3A_100 : f32 to vector<16xf32>
        %get3A_102 = arith.constant 0 : i32
        %get3A_103 = arith.index_cast %rem3A_65 : i32 to index
        %get3A_104 = arith.index_cast %get3A_102 : i32 to index
        %get3A_105 = arith.index_cast %add3A_93 : i32 to index
        %get3A_106 = arith.constant 0 : index
        %get3A_107 = tpu.vector_load %arg13[%get3A_103, %get3A_104, %get3A_105, %get3A_106] {strides = array<i32>} : memref<2x3x128x128xf32, #tpu.memory_space<vmem>>, vector<1x1x1x16xf32>,
        %get3A_108 = vector.shape_cast %get3A_107 : vector<1x1x1x16xf32> to vector<16xf32>
        %get3A_109 = arith.constant 1 : i32
        %get3A_110 = arith.index_cast %rem3A_65 : i32 to index
        %get3A_111 = arith.index_cast %get3A_109 : i32 to index
        %get3A_112 = arith.index_cast %add3A_93 : i32 to index
        %get3A_113 = arith.constant 0 : index
        %get3A_114 = tpu.vector_load %arg13[%get3A_110, %get3A_111, %get3A_112, %get3A_113] {strides = array<i32>} : memref<2x3x128x128xf32, #tpu.memory_space<vmem>>, vector<1x1x1x16xf32>,
        %get3A_115 = vector.shape_cast %get3A_114 : vector<1x1x1x16xf32> to vector<16xf32>
        %get3A_116 = arith.constant 2 : i32
        %get3A_117 = arith.index_cast %rem3A_65 : i32 to index
        %get3A_118 = arith.index_cast %get3A_116 : i32 to index
        %get3A_119 = arith.index_cast %add3A_93 : i32 to index
        %get3A_120 = arith.constant 0 : index
        %get3A_121 = tpu.vector_load %arg13[%get3A_117, %get3A_118, %get3A_119, %get3A_120] {strides = array<i32>} : memref<2x3x128x128xf32, #tpu.memory_space<vmem>>, vector<1x1x1x16xf32>,
        %get3A_122 = vector.shape_cast %get3A_121 : vector<1x1x1x16xf32> to vector<16xf32>
        %mul3A_123 = arith.mulf %get3A_108, %get3A_115 : vector<16xf32>
        %add3A_124 = arith.addf %broadcast_in_dim3A_95, %mul3A_123 : vector<16xf32>
        %mul3A_125 = arith.mulf %get3A_108, %get3A_122 : vector<16xf32>
        %add3A_126 = arith.addf %broadcast_in_dim3A_97, %mul3A_125 : vector<16xf32>
        %get3A_127 = arith.constant 0 : i32
        %get3A_128 = arith.index_cast %rem3A_65 : i32 to index
        %get3A_129 = arith.index_cast %get3A_127 : i32 to index
        %get3A_130 = arith.index_cast %add3A_93 : i32 to index
        %get3A_131 = arith.constant 16 : index
        %get3A_132 = tpu.vector_load %arg13[%get3A_128, %get3A_129, %get3A_130, %get3A_131] {strides = array<i32>} : memref<2x3x128x128xf32, #tpu.memory_space<vmem>>, vector<1x1x1x16xf32>,
        %get3A_133 = vector.shape_cast %get3A_132 : vector<1x1x1x16xf32> to vector<16xf32>
        %get3A_134 = arith.constant 1 : i32
        %get3A_135 = arith.index_cast %rem3A_65 : i32 to index
        %get3A_136 = arith.index_cast %get3A_134 : i32 to index
        %get3A_137 = arith.index_cast %add3A_93 : i32 to index
        %get3A_138 = arith.constant 16 : index
        %get3A_139 = tpu.vector_load %arg13[%get3A_135, %get3A_136, %get3A_137, %get3A_138] {strides = array<i32>} : memref<2x3x128x128xf32, #tpu.memory_space<vmem>>, vector<1x1x1x16xf32>,
        %get3A_140 = vector.shape_cast %get3A_139 : vector<1x1x1x16xf32> to vector<16xf32>
        %get3A_141 = arith.constant 2 : i32
        %get3A_142 = arith.index_cast %rem3A_65 : i32 to index
        %get3A_143 = arith.index_cast %get3A_141 : i32 to index
        %get3A_144 = arith.index_cast %add3A_93 : i32 to index
        %get3A_145 = arith.constant 16 : index
        %get3A_146 = tpu.vector_load %arg13[%get3A_142, %get3A_143, %get3A_144, %get3A_145] {strides = array<i32>} : memref<2x3x128x128xf32, #tpu.memory_space<vmem>>, vector<1x1x1x16xf32>,
        %get3A_147 = vector.shape_cast %get3A_146 : vector<1x1x1x16xf32> to vector<16xf32>
        %mul3A_148 = arith.mulf %get3A_133, %get3A_140 : vector<16xf32>
        %add3A_149 = arith.addf %broadcast_in_dim3A_99, %mul3A_148 : vector<16xf32>
        %mul3A_150 = arith.mulf %get3A_133, %get3A_147 : vector<16xf32>
        %add3A_151 = arith.addf %broadcast_in_dim3A_101, %mul3A_150 : vector<16xf32>
        %get3A_152 = arith.constant 0 : i32
        %get3A_153 = arith.index_cast %rem3A_65 : i32 to index
        %get3A_154 = arith.index_cast %get3A_152 : i32 to index
        %get3A_155 = arith.index_cast %add3A_93 : i32 to index
        %get3A_156 = arith.constant 32 : index
        %get3A_157 = tpu.vector_load %arg13[%get3A_153, %get3A_154, %get3A_155, %get3A_156] {strides = array<i32>} : memref<2x3x128x128xf32, #tpu.memory_space<vmem>>, vector<1x1x1x16xf32>,
        %get3A_158 = vector.shape_cast %get3A_157 : vector<1x1x1x16xf32> to vector<16xf32>
        %get3A_159 = arith.constant 1 : i32
        %get3A_160 = arith.index_cast %rem3A_65 : i32 to index
        %get3A_161 = arith.index_cast %get3A_159 : i32 to index
        %get3A_162 = arith.index_cast %add3A_93 : i32 to index
        %get3A_163 = arith.constant 32 : index
        %get3A_164 = tpu.vector_load %arg13[%get3A_160, %get3A_161, %get3A_162, %get3A_163] {strides = array<i32>} : memref<2x3x128x128xf32, #tpu.memory_space<vmem>>, vector<1x1x1x16xf32>,
        %get3A_165 = vector.shape_cast %get3A_164 : vector<1x1x1x16xf32> to vector<16xf32>
        %get3A_166 = arith.constant 2 : i32
        %get3A_167 = arith.index_cast %rem3A_65 : i32 to index
        %get3A_168 = arith.index_cast %get3A_166 : i32 to index
        %get3A_169 = arith.index_cast %add3A_93 : i32 to index
        %get3A_170 = arith.constant 32 : index
        %get3A_171 = tpu.vector_load %arg13[%get3A_167, %get3A_168, %get3A_169, %get3A_170] {strides = array<i32>} : memref<2x3x128x128xf32, #tpu.memory_space<vmem>>, vector<1x1x1x16xf32>,
        %get3A_172 = vector.shape_cast %get3A_171 : vector<1x1x1x16xf32> to vector<16xf32>
        %mul3A_173 = arith.mulf %get3A_158, %get3A_165 : vector<16xf32>
        %add3A_174 = arith.addf %add3A_124, %mul3A_173 : vector<16xf32>
        %mul3A_175 = arith.mulf %get3A_158, %get3A_172 : vector<16xf32>
        %add3A_176 = arith.addf %add3A_126, %mul3A_175 : vector<16xf32>
        %get3A_177 = arith.constant 0 : i32
        %get3A_178 = arith.index_cast %rem3A_65 : i32 to index
        %get3A_179 = arith.index_cast %get3A_177 : i32 to index
        %get3A_180 = arith.index_cast %add3A_93 : i32 to index
        %get3A_181 = arith.constant 48 : index
        %get3A_182 = tpu.vector_load %arg13[%get3A_178, %get3A_179, %get3A_180, %get3A_181] {strides = array<i32>} : memref<2x3x128x128xf32, #tpu.memory_space<vmem>>, vector<1x1x1x16xf32>,
        %get3A_183 = vector.shape_cast %get3A_182 : vector<1x1x1x16xf32> to vector<16xf32>
        %get3A_184 = arith.constant 1 : i32
        %get3A_185 = arith.index_cast %rem3A_65 : i32 to index
        %get3A_186 = arith.index_cast %get3A_184 : i32 to index
        %get3A_187 = arith.index_cast %add3A_93 : i32 to index
        %get3A_188 = arith.constant 48 : index
        %get3A_189 = tpu.vector_load %arg13[%get3A_185, %get3A_186, %get3A_187, %get3A_188] {strides = array<i32>} : memref<2x3x128x128xf32, #tpu.memory_space<vmem>>, vector<1x1x1x16xf32>,
        %get3A_190 = vector.shape_cast %get3A_189 : vector<1x1x1x16xf32> to vector<16xf32>
        %get3A_191 = arith.constant 2 : i32
        %get3A_192 = arith.index_cast %rem3A_65 : i32 to index
        %get3A_193 = arith.index_cast %get3A_191 : i32 to index
        %get3A_194 = arith.index_cast %add3A_93 : i32 to index
        %get3A_195 = arith.constant 48 : index
        %get3A_196 = tpu.vector_load %arg13[%get3A_192, %get3A_193, %get3A_194, %get3A_195] {strides = array<i32>} : memref<2x3x128x128xf32, #tpu.memory_space<vmem>>, vector<1x1x1x16xf32>,
        %get3A_197 = vector.shape_cast %get3A_196 : vector<1x1x1x16xf32> to vector<16xf32>
        %mul3A_198 = arith.mulf %get3A_183, %get3A_190 : vector<16xf32>
        %add3A_199 = arith.addf %add3A_149, %mul3A_198 : vector<16xf32>
        %mul3A_200 = arith.mulf %get3A_183, %get3A_197 : vector<16xf32>
        %add3A_201 = arith.addf %add3A_151, %mul3A_200 : vector<16xf32>
        %get3A_202 = arith.constant 0 : i32
        %get3A_203 = arith.index_cast %rem3A_65 : i32 to index
        %get3A_204 = arith.index_cast %get3A_202 : i32 to index
        %get3A_205 = arith.index_cast %add3A_93 : i32 to index
        %get3A_206 = arith.constant 64 : index
        %get3A_207 = tpu.vector_load %arg13[%get3A_203, %get3A_204, %get3A_205, %get3A_206] {strides = array<i32>} : memref<2x3x128x128xf32, #tpu.memory_space<vmem>>, vector<1x1x1x16xf32>,
        %get3A_208 = vector.shape_cast %get3A_207 : vector<1x1x1x16xf32> to vector<16xf32>
        %get3A_209 = arith.constant 1 : i32
        %get3A_210 = arith.index_cast %rem3A_65 : i32 to index
        %get3A_211 = arith.index_cast %get3A_209 : i32 to index
        %get3A_212 = arith.index_cast %add3A_93 : i32 to index
        %get3A_213 = arith.constant 64 : index
        %get3A_214 = tpu.vector_load %arg13[%get3A_210, %get3A_211, %get3A_212, %get3A_213] {strides = array<i32>} : memref<2x3x128x128xf32, #tpu.memory_space<vmem>>, vector<1x1x1x16xf32>,
        %get3A_215 = vector.shape_cast %get3A_214 : vector<1x1x1x16xf32> to vector<16xf32>
        %get3A_216 = arith.constant 2 : i32
        %get3A_217 = arith.index_cast %rem3A_65 : i32 to index
        %get3A_218 = arith.index_cast %get3A_216 : i32 to index
        %get3A_219 = arith.index_cast %add3A_93 : i32 to index
        %get3A_220 = arith.constant 64 : index
        %get3A_221 = tpu.vector_load %arg13[%get3A_217, %get3A_218, %get3A_219, %get3A_220] {strides = array<i32>} : memref<2x3x128x128xf32, #tpu.memory_space<vmem>>, vector<1x1x1x16xf32>,
        %get3A_222 = vector.shape_cast %get3A_221 : vector<1x1x1x16xf32> to vector<16xf32>
        %mul3A_223 = arith.mulf %get3A_208, %get3A_215 : vector<16xf32>
        %add3A_224 = arith.addf %add3A_174, %mul3A_223 : vector<16xf32>
        %mul3A_225 = arith.mulf %get3A_208, %get3A_222 : vector<16xf32>
        %add3A_226 = arith.addf %add3A_176, %mul3A_225 : vector<16xf32>
        %get3A_227 = arith.constant 0 : i32
        %get3A_228 = arith.index_cast %rem3A_65 : i32 to index
        %get3A_229 = arith.index_cast %get3A_227 : i32 to index
        %get3A_230 = arith.index_cast %add3A_93 : i32 to index
        %get3A_231 = arith.constant 80 : index
        %get3A_232 = tpu.vector_load %arg13[%get3A_228, %get3A_229, %get3A_230, %get3A_231] {strides = array<i32>} : memref<2x3x128x128xf32, #tpu.memory_space<vmem>>, vector<1x1x1x16xf32>,
        %get3A_233 = vector.shape_cast %get3A_232 : vector<1x1x1x16xf32> to vector<16xf32>
        %get3A_234 = arith.constant 1 : i32
        %get3A_235 = arith.index_cast %rem3A_65 : i32 to index
        %get3A_236 = arith.index_cast %get3A_234 : i32 to index
        %get3A_237 = arith.index_cast %add3A_93 : i32 to index
        %get3A_238 = arith.constant 80 : index
        %get3A_239 = tpu.vector_load %arg13[%get3A_235, %get3A_236, %get3A_237, %get3A_238] {strides = array<i32>} : memref<2x3x128x128xf32, #tpu.memory_space<vmem>>, vector<1x1x1x16xf32>,
        %get3A_240 = vector.shape_cast %get3A_239 : vector<1x1x1x16xf32> to vector<16xf32>
        %get3A_241 = arith.constant 2 : i32
        %get3A_242 = arith.index_cast %rem3A_65 : i32 to index
        %get3A_243 = arith.index_cast %get3A_241 : i32 to index
        %get3A_244 = arith.index_cast %add3A_93 : i32 to index
        %get3A_245 = arith.constant 80 : index
        %get3A_246 = tpu.vector_load %arg13[%get3A_242, %get3A_243, %get3A_244, %get3A_245] {strides = array<i32>} : memref<2x3x128x128xf32, #tpu.memory_space<vmem>>, vector<1x1x1x16xf32>,
        %get3A_247 = vector.shape_cast %get3A_246 : vector<1x1x1x16xf32> to vector<16xf32>
        %mul3A_248 = arith.mulf %get3A_233, %get3A_240 : vector<16xf32>
        %add3A_249 = arith.addf %add3A_199, %mul3A_248 : vector<16xf32>
        %mul3A_250 = arith.mulf %get3A_233, %get3A_247 : vector<16xf32>
        %add3A_251 = arith.addf %add3A_201, %mul3A_250 : vector<16xf32>
        %get3A_252 = arith.constant 0 : i32
        %get3A_253 = arith.index_cast %rem3A_65 : i32 to index
        %get3A_254 = arith.index_cast %get3A_252 : i32 to index
        %get3A_255 = arith.index_cast %add3A_93 : i32 to index
        %get3A_256 = arith.constant 96 : index
        %get3A_257 = tpu.vector_load %arg13[%get3A_253, %get3A_254, %get3A_255, %get3A_256] {strides = array<i32>} : memref<2x3x128x128xf32, #tpu.memory_space<vmem>>, vector<1x1x1x16xf32>,
        %get3A_258 = vector.shape_cast %get3A_257 : vector<1x1x1x16xf32> to vector<16xf32>
        %get3A_259 = arith.constant 1 : i32
        %get3A_260 = arith.index_cast %rem3A_65 : i32 to index
        %get3A_261 = arith.index_cast %get3A_259 : i32 to index
        %get3A_262 = arith.index_cast %add3A_93 : i32 to index
        %get3A_263 = arith.constant 96 : index
        %get3A_264 = tpu.vector_load %arg13[%get3A_260, %get3A_261, %get3A_262, %get3A_263] {strides = array<i32>} : memref<2x3x128x128xf32, #tpu.memory_space<vmem>>, vector<1x1x1x16xf32>,
        %get3A_265 = vector.shape_cast %get3A_264 : vector<1x1x1x16xf32> to vector<16xf32>
        %get3A_266 = arith.constant 2 : i32
        %get3A_267 = arith.index_cast %rem3A_65 : i32 to index
        %get3A_268 = arith.index_cast %get3A_266 : i32 to index
        %get3A_269 = arith.index_cast %add3A_93 : i32 to index
        %get3A_270 = arith.constant 96 : index
        %get3A_271 = tpu.vector_load %arg13[%get3A_267, %get3A_268, %get3A_269, %get3A_270] {strides = array<i32>} : memref<2x3x128x128xf32, #tpu.memory_space<vmem>>, vector<1x1x1x16xf32>,
        %get3A_272 = vector.shape_cast %get3A_271 : vector<1x1x1x16xf32> to vector<16xf32>
        %mul3A_273 = arith.mulf %get3A_258, %get3A_265 : vector<16xf32>
        %add3A_274 = arith.addf %add3A_224, %mul3A_273 : vector<16xf32>
        %mul3A_275 = arith.mulf %get3A_258, %get3A_272 : vector<16xf32>
        %add3A_276 = arith.addf %add3A_226, %mul3A_275 : vector<16xf32>
        %get3A_277 = arith.constant 0 : i32
        %get3A_278 = arith.index_cast %rem3A_65 : i32 to index
        %get3A_279 = arith.index_cast %get3A_277 : i32 to index
        %get3A_280 = arith.index_cast %add3A_93 : i32 to index
        %get3A_281 = arith.constant 112 : index
        %get3A_282 = tpu.vector_load %arg13[%get3A_278, %get3A_279, %get3A_280, %get3A_281] {strides = array<i32>} : memref<2x3x128x128xf32, #tpu.memory_space<vmem>>, vector<1x1x1x16xf32>,
        %get3A_283 = vector.shape_cast %get3A_282 : vector<1x1x1x16xf32> to vector<16xf32>
        %get3A_284 = arith.constant 1 : i32
        %get3A_285 = arith.index_cast %rem3A_65 : i32 to index
        %get3A_286 = arith.index_cast %get3A_284 : i32 to index
        %get3A_287 = arith.index_cast %add3A_93 : i32 to index
        %get3A_288 = arith.constant 112 : index
        %get3A_289 = tpu.vector_load %arg13[%get3A_285, %get3A_286, %get3A_287, %get3A_288] {strides = array<i32>} : memref<2x3x128x128xf32, #tpu.memory_space<vmem>>, vector<1x1x1x16xf32>,
        %get3A_290 = vector.shape_cast %get3A_289 : vector<1x1x1x16xf32> to vector<16xf32>
        %get3A_291 = arith.constant 2 : i32
        %get3A_292 = arith.index_cast %rem3A_65 : i32 to index
        %get3A_293 = arith.index_cast %get3A_291 : i32 to index
        %get3A_294 = arith.index_cast %add3A_93 : i32 to index
        %get3A_295 = arith.constant 112 : index
        %get3A_296 = tpu.vector_load %arg13[%get3A_292, %get3A_293, %get3A_294, %get3A_295] {strides = array<i32>} : memref<2x3x128x128xf32, #tpu.memory_space<vmem>>, vector<1x1x1x16xf32>,
        %get3A_297 = vector.shape_cast %get3A_296 : vector<1x1x1x16xf32> to vector<16xf32>
        %mul3A_298 = arith.mulf %get3A_283, %get3A_290 : vector<16xf32>
        %add3A_299 = arith.addf %add3A_249, %mul3A_298 : vector<16xf32>
        %mul3A_300 = arith.mulf %get3A_283, %get3A_297 : vector<16xf32>
        %add3A_301 = arith.addf %add3A_251, %mul3A_300 : vector<16xf32>
        %add3A_302 = arith.addf %add3A_274, %add3A_276 : vector<16xf32>
        %add3A_303 = arith.addf %add3A_299, %add3A_301 : vector<16xf32>
        %add3A_304 = arith.addf %add3A_302, %add3A_303 : vector<16xf32>
        %add3A_305 = arith.addi %mul3A_73, %scan3A_91 : i32
        %add3A_306 = arith.constant 8 : i32
        %add3A_307 = arith.addi %add3A_305, %add3A_306 : i32
        %broadcast_in_dim3A_308 = arith.constant 0.000000e+00 : f32
        %broadcast_in_dim3A_309 = vector.broadcast %broadcast_in_dim3A_308 : f32 to vector<16xf32>
        %broadcast_in_dim3A_310 = arith.constant 0.000000e+00 : f32
        %broadcast_in_dim3A_311 = vector.broadcast %broadcast_in_dim3A_310 : f32 to vector<16xf32>
        %broadcast_in_dim3A_312 = arith.constant 0.000000e+00 : f32
        %broadcast_in_dim3A_313 = vector.broadcast %broadcast_in_dim3A_312 : f32 to vector<16xf32>
        %broadcast_in_dim3A_314 = arith.constant 0.000000e+00 : f32
        %broadcast_in_dim3A_315 = vector.broadcast %broadcast_in_dim3A_314 : f32 to vector<16xf32>
        %get3A_316 = arith.constant 0 : i32
        %get3A_317 = arith.index_cast %rem3A_65 : i32 to index
        %get3A_318 = arith.index_cast %get3A_316 : i32 to index
        %get3A_319 = arith.index_cast %add3A_307 : i32 to index
        %get3A_320 = arith.constant 0 : index
        %get3A_321 = tpu.vector_load %arg13[%get3A_317, %get3A_318, %get3A_319, %get3A_320] {strides = array<i32>} : memref<2x3x128x128xf32, #tpu.memory_space<vmem>>, vector<1x1x1x16xf32>,
        %get3A_322 = vector.shape_cast %get3A_321 : vector<1x1x1x16xf32> to vector<16xf32>
        %get3A_323 = arith.constant 1 : i32
        %get3A_324 = arith.index_cast %rem3A_65 : i32 to index
        %get3A_325 = arith.index_cast %get3A_323 : i32 to index
        %get3A_326 = arith.index_cast %add3A_307 : i32 to index
        %get3A_327 = arith.constant 0 : index
        %get3A_328 = tpu.vector_load %arg13[%get3A_324, %get3A_325, %get3A_326, %get3A_327] {strides = array<i32>} : memref<2x3x128x128xf32, #tpu.memory_space<vmem>>, vector<1x1x1x16xf32>,
        %get3A_329 = vector.shape_cast %get3A_328 : vector<1x1x1x16xf32> to vector<16xf32>
        %get3A_330 = arith.constant 2 : i32
        %get3A_331 = arith.index_cast %rem3A_65 : i32 to index
        %get3A_332 = arith.index_cast %get3A_330 : i32 to index
        %get3A_333 = arith.index_cast %add3A_307 : i32 to index
        %get3A_334 = arith.constant 0 : index
        %get3A_335 = tpu.vector_load %arg13[%get3A_331, %get3A_332, %get3A_333, %get3A_334] {strides = array<i32>} : memref<2x3x128x128xf32, #tpu.memory_space<vmem>>, vector<1x1x1x16xf32>,
        %get3A_336 = vector.shape_cast %get3A_335 : vector<1x1x1x16xf32> to vector<16xf32>
        %mul3A_337 = arith.mulf %get3A_322, %get3A_329 : vector<16xf32>
        %add3A_338 = arith.addf %broadcast_in_dim3A_309, %mul3A_337 : vector<16xf32>
        %mul3A_339 = arith.mulf %get3A_322, %get3A_336 : vector<16xf32>
        %add3A_340 = arith.addf %broadcast_in_dim3A_311, %mul3A_339 : vector<16xf32>
        %get3A_341 = arith.constant 0 : i32
        %get3A_342 = arith.index_cast %rem3A_65 : i32 to index
        %get3A_343 = arith.index_cast %get3A_341 : i32 to index
        %get3A_344 = arith.index_cast %add3A_307 : i32 to index
        %get3A_345 = arith.constant 16 : index
        %get3A_346 = tpu.vector_load %arg13[%get3A_342, %get3A_343, %get3A_344, %get3A_345] {strides = array<i32>} : memref<2x3x128x128xf32, #tpu.memory_space<vmem>>, vector<1x1x1x16xf32>,
        %get3A_347 = vector.shape_cast %get3A_346 : vector<1x1x1x16xf32> to vector<16xf32>
        %get3A_348 = arith.constant 1 : i32
        %get3A_349 = arith.index_cast %rem3A_65 : i32 to index
        %get3A_350 = arith.index_cast %get3A_348 : i32 to index
        %get3A_351 = arith.index_cast %add3A_307 : i32 to index
        %get3A_352 = arith.constant 16 : index
        %get3A_353 = tpu.vector_load %arg13[%get3A_349, %get3A_350, %get3A_351, %get3A_352] {strides = array<i32>} : memref<2x3x128x128xf32, #tpu.memory_space<vmem>>, vector<1x1x1x16xf32>,
        %get3A_354 = vector.shape_cast %get3A_353 : vector<1x1x1x16xf32> to vector<16xf32>
        %get3A_355 = arith.constant 2 : i32
        %get3A_356 = arith.index_cast %rem3A_65 : i32 to index
        %get3A_357 = arith.index_cast %get3A_355 : i32 to index
        %get3A_358 = arith.index_cast %add3A_307 : i32 to index
        %get3A_359 = arith.constant 16 : index
        %get3A_360 = tpu.vector_load %arg13[%get3A_356, %get3A_357, %get3A_358, %get3A_359] {strides = array<i32>} : memref<2x3x128x128xf32, #tpu.memory_space<vmem>>, vector<1x1x1x16xf32>,
        %get3A_361 = vector.shape_cast %get3A_360 : vector<1x1x1x16xf32> to vector<16xf32>
        %mul3A_362 = arith.mulf %get3A_347, %get3A_354 : vector<16xf32>
        %add3A_363 = arith.addf %broadcast_in_dim3A_313, %mul3A_362 : vector<16xf32>
        %mul3A_364 = arith.mulf %get3A_347, %get3A_361 : vector<16xf32>
        %add3A_365 = arith.addf %broadcast_in_dim3A_315, %mul3A_364 : vector<16xf32>
        %get3A_366 = arith.constant 0 : i32
        %get3A_367 = arith.index_cast %rem3A_65 : i32 to index
        %get3A_368 = arith.index_cast %get3A_366 : i32 to index
        %get3A_369 = arith.index_cast %add3A_307 : i32 to index
        %get3A_370 = arith.constant 32 : index
        %get3A_371 = tpu.vector_load %arg13[%get3A_367, %get3A_368, %get3A_369, %get3A_370] {strides = array<i32>} : memref<2x3x128x128xf32, #tpu.memory_space<vmem>>, vector<1x1x1x16xf32>,
        %get3A_372 = vector.shape_cast %get3A_371 : vector<1x1x1x16xf32> to vector<16xf32>
        %get3A_373 = arith.constant 1 : i32
        %get3A_374 = arith.index_cast %rem3A_65 : i32 to index
        %get3A_375 = arith.index_cast %get3A_373 : i32 to index
        %get3A_376 = arith.index_cast %add3A_307 : i32 to index
        %get3A_377 = arith.constant 32 : index
        %get3A_378 = tpu.vector_load %arg13[%get3A_374, %get3A_375, %get3A_376, %get3A_377] {strides = array<i32>} : memref<2x3x128x128xf32, #tpu.memory_space<vmem>>, vector<1x1x1x16xf32>,
        %get3A_379 = vector.shape_cast %get3A_378 : vector<1x1x1x16xf32> to vector<16xf32>
        %get3A_380 = arith.constant 2 : i32
        %get3A_381 = arith.index_cast %rem3A_65 : i32 to index
        %get3A_382 = arith.index_cast %get3A_380 : i32 to index
        %get3A_383 = arith.index_cast %add3A_307 : i32 to index
        %get3A_384 = arith.constant 32 : index
        %get3A_385 = tpu.vector_load %arg13[%get3A_381, %get3A_382, %get3A_383, %get3A_384] {strides = array<i32>} : memref<2x3x128x128xf32, #tpu.memory_space<vmem>>, vector<1x1x1x16xf32>,
        %get3A_386 = vector.shape_cast %get3A_385 : vector<1x1x1x16xf32> to vector<16xf32>
        %mul3A_387 = arith.mulf %get3A_372, %get3A_379 : vector<16xf32>
        %add3A_388 = arith.addf %add3A_338, %mul3A_387 : vector<16xf32>
        %mul3A_389 = arith.mulf %get3A_372, %get3A_386 : vector<16xf32>
        %add3A_390 = arith.addf %add3A_340, %mul3A_389 : vector<16xf32>
        %get3A_391 = arith.constant 0 : i32
        %get3A_392 = arith.index_cast %rem3A_65 : i32 to index
        %get3A_393 = arith.index_cast %get3A_391 : i32 to index
        %get3A_394 = arith.index_cast %add3A_307 : i32 to index
        %get3A_395 = arith.constant 48 : index
        %get3A_396 = tpu.vector_load %arg13[%get3A_392, %get3A_393, %get3A_394, %get3A_395] {strides = array<i32>} : memref<2x3x128x128xf32, #tpu.memory_space<vmem>>, vector<1x1x1x16xf32>,
        %get3A_397 = vector.shape_cast %get3A_396 : vector<1x1x1x16xf32> to vector<16xf32>
        %get3A_398 = arith.constant 1 : i32
        %get3A_399 = arith.index_cast %rem3A_65 : i32 to index
        %get3A_400 = arith.index_cast %get3A_398 : i32 to index
        %get3A_401 = arith.index_cast %add3A_307 : i32 to index
        %get3A_402 = arith.constant 48 : index
        %get3A_403 = tpu.vector_load %arg13[%get3A_399, %get3A_400, %get3A_401, %get3A_402] {strides = array<i32>} : memref<2x3x128x128xf32, #tpu.memory_space<vmem>>, vector<1x1x1x16xf32>,
        %get3A_404 = vector.shape_cast %get3A_403 : vector<1x1x1x16xf32> to vector<16xf32>
        %get3A_405 = arith.constant 2 : i32
        %get3A_406 = arith.index_cast %rem3A_65 : i32 to index
        %get3A_407 = arith.index_cast %get3A_405 : i32 to index
        %get3A_408 = arith.index_cast %add3A_307 : i32 to index
        %get3A_409 = arith.constant 48 : index
        %get3A_410 = tpu.vector_load %arg13[%get3A_406, %get3A_407, %get3A_408, %get3A_409] {strides = array<i32>} : memref<2x3x128x128xf32, #tpu.memory_space<vmem>>, vector<1x1x1x16xf32>,
        %get3A_411 = vector.shape_cast %get3A_410 : vector<1x1x1x16xf32> to vector<16xf32>
        %mul3A_412 = arith.mulf %get3A_397, %get3A_404 : vector<16xf32>
        %add3A_413 = arith.addf %add3A_363, %mul3A_412 : vector<16xf32>
        %mul3A_414 = arith.mulf %get3A_397, %get3A_411 : vector<16xf32>
        %add3A_415 = arith.addf %add3A_365, %mul3A_414 : vector<16xf32>
        %get3A_416 = arith.constant 0 : i32
        %get3A_417 = arith.index_cast %rem3A_65 : i32 to index
        %get3A_418 = arith.index_cast %get3A_416 : i32 to index
        %get3A_419 = arith.index_cast %add3A_307 : i32 to index
        %get3A_420 = arith.constant 64 : index
        %get3A_421 = tpu.vector_load %arg13[%get3A_417, %get3A_418, %get3A_419, %get3A_420] {strides = array<i32>} : memref<2x3x128x128xf32, #tpu.memory_space<vmem>>, vector<1x1x1x16xf32>,
        %get3A_422 = vector.shape_cast %get3A_421 : vector<1x1x1x16xf32> to vector<16xf32>
        %get3A_423 = arith.constant 1 : i32
        %get3A_424 = arith.index_cast %rem3A_65 : i32 to index
        %get3A_425 = arith.index_cast %get3A_423 : i32 to index
        %get3A_426 = arith.index_cast %add3A_307 : i32 to index
        %get3A_427 = arith.constant 64 : index
        %get3A_428 = tpu.vector_load %arg13[%get3A_424, %get3A_425, %get3A_426, %get3A_427] {strides = array<i32>} : memref<2x3x128x128xf32, #tpu.memory_space<vmem>>, vector<1x1x1x16xf32>,
        %get3A_429 = vector.shape_cast %get3A_428 : vector<1x1x1x16xf32> to vector<16xf32>
        %get3A_430 = arith.constant 2 : i32
        %get3A_431 = arith.index_cast %rem3A_65 : i32 to index
        %get3A_432 = arith.index_cast %get3A_430 : i32 to index
        %get3A_433 = arith.index_cast %add3A_307 : i32 to index
        %get3A_434 = arith.constant 64 : index
        %get3A_435 = tpu.vector_load %arg13[%get3A_431, %get3A_432, %get3A_433, %get3A_434] {strides = array<i32>} : memref<2x3x128x128xf32, #tpu.memory_space<vmem>>, vector<1x1x1x16xf32>,
        %get3A_436 = vector.shape_cast %get3A_435 : vector<1x1x1x16xf32> to vector<16xf32>
        %mul3A_437 = arith.mulf %get3A_422, %get3A_429 : vector<16xf32>
        %add3A_438 = arith.addf %add3A_388, %mul3A_437 : vector<16xf32>
        %mul3A_439 = arith.mulf %get3A_422, %get3A_436 : vector<16xf32>
        %add3A_440 = arith.addf %add3A_390, %mul3A_439 : vector<16xf32>
        %get3A_441 = arith.constant 0 : i32
        %get3A_442 = arith.index_cast %rem3A_65 : i32 to index
        %get3A_443 = arith.index_cast %get3A_441 : i32 to index
        %get3A_444 = arith.index_cast %add3A_307 : i32 to index
        %get3A_445 = arith.constant 80 : index
        %get3A_446 = tpu.vector_load %arg13[%get3A_442, %get3A_443, %get3A_444, %get3A_445] {strides = array<i32>} : memref<2x3x128x128xf32, #tpu.memory_space<vmem>>, vector<1x1x1x16xf32>,
        %get3A_447 = vector.shape_cast %get3A_446 : vector<1x1x1x16xf32> to vector<16xf32>
        %get3A_448 = arith.constant 1 : i32
        %get3A_449 = arith.index_cast %rem3A_65 : i32 to index
        %get3A_450 = arith.index_cast %get3A_448 : i32 to index
        %get3A_451 = arith.index_cast %add3A_307 : i32 to index
        %get3A_452 = arith.constant 80 : index
        %get3A_453 = tpu.vector_load %arg13[%get3A_449, %get3A_450, %get3A_451, %get3A_452] {strides = array<i32>} : memref<2x3x128x128xf32, #tpu.memory_space<vmem>>, vector<1x1x1x16xf32>,
        %get3A_454 = vector.shape_cast %get3A_453 : vector<1x1x1x16xf32> to vector<16xf32>
        %get3A_455 = arith.constant 2 : i32
        %get3A_456 = arith.index_cast %rem3A_65 : i32 to index
        %get3A_457 = arith.index_cast %get3A_455 : i32 to index
        %get3A_458 = arith.index_cast %add3A_307 : i32 to index
        %get3A_459 = arith.constant 80 : index
        %get3A_460 = tpu.vector_load %arg13[%get3A_456, %get3A_457, %get3A_458, %get3A_459] {strides = array<i32>} : memref<2x3x128x128xf32, #tpu.memory_space<vmem>>, vector<1x1x1x16xf32>,
        %get3A_461 = vector.shape_cast %get3A_460 : vector<1x1x1x16xf32> to vector<16xf32>
        %mul3A_462 = arith.mulf %get3A_447, %get3A_454 : vector<16xf32>
        %add3A_463 = arith.addf %add3A_413, %mul3A_462 : vector<16xf32>
        %mul3A_464 = arith.mulf %get3A_447, %get3A_461 : vector<16xf32>
        %add3A_465 = arith.addf %add3A_415, %mul3A_464 : vector<16xf32>
        %get3A_466 = arith.constant 0 : i32
        %get3A_467 = arith.index_cast %rem3A_65 : i32 to index
        %get3A_468 = arith.index_cast %get3A_466 : i32 to index
        %get3A_469 = arith.index_cast %add3A_307 : i32 to index
        %get3A_470 = arith.constant 96 : index
        %get3A_471 = tpu.vector_load %arg13[%get3A_467, %get3A_468, %get3A_469, %get3A_470] {strides = array<i32>} : memref<2x3x128x128xf32, #tpu.memory_space<vmem>>, vector<1x1x1x16xf32>,
        %get3A_472 = vector.shape_cast %get3A_471 : vector<1x1x1x16xf32> to vector<16xf32>
        %get3A_473 = arith.constant 1 : i32
        %get3A_474 = arith.index_cast %rem3A_65 : i32 to index
        %get3A_475 = arith.index_cast %get3A_473 : i32 to index
        %get3A_476 = arith.index_cast %add3A_307 : i32 to index
        %get3A_477 = arith.constant 96 : index
        %get3A_478 = tpu.vector_load %arg13[%get3A_474, %get3A_475, %get3A_476, %get3A_477] {strides = array<i32>} : memref<2x3x128x128xf32, #tpu.memory_space<vmem>>, vector<1x1x1x16xf32>,
        %get3A_479 = vector.shape_cast %get3A_478 : vector<1x1x1x16xf32> to vector<16xf32>
        %get3A_480 = arith.constant 2 : i32
        %get3A_481 = arith.index_cast %rem3A_65 : i32 to index
        %get3A_482 = arith.index_cast %get3A_480 : i32 to index
        %get3A_483 = arith.index_cast %add3A_307 : i32 to index
        %get3A_484 = arith.constant 96 : index
        %get3A_485 = tpu.vector_load %arg13[%get3A_481, %get3A_482, %get3A_483, %get3A_484] {strides = array<i32>} : memref<2x3x128x128xf32, #tpu.memory_space<vmem>>, vector<1x1x1x16xf32>,
        %get3A_486 = vector.shape_cast %get3A_485 : vector<1x1x1x16xf32> to vector<16xf32>
        %mul3A_487 = arith.mulf %get3A_472, %get3A_479 : vector<16xf32>
        %add3A_488 = arith.addf %add3A_438, %mul3A_487 : vector<16xf32>
        %mul3A_489 = arith.mulf %get3A_472, %get3A_486 : vector<16xf32>
        %add3A_490 = arith.addf %add3A_440, %mul3A_489 : vector<16xf32>
        %get3A_491 = arith.constant 0 : i32
        %get3A_492 = arith.index_cast %rem3A_65 : i32 to index
        %get3A_493 = arith.index_cast %get3A_491 : i32 to index
        %get3A_494 = arith.index_cast %add3A_307 : i32 to index
        %get3A_495 = arith.constant 112 : index
        %get3A_496 = tpu.vector_load %arg13[%get3A_492, %get3A_493, %get3A_494, %get3A_495] {strides = array<i32>} : memref<2x3x128x128xf32, #tpu.memory_space<vmem>>, vector<1x1x1x16xf32>,
        %get3A_497 = vector.shape_cast %get3A_496 : vector<1x1x1x16xf32> to vector<16xf32>
        %get3A_498 = arith.constant 1 : i32
        %get3A_499 = arith.index_cast %rem3A_65 : i32 to index
        %get3A_500 = arith.index_cast %get3A_498 : i32 to index
        %get3A_501 = arith.index_cast %add3A_307 : i32 to index
        %get3A_502 = arith.constant 112 : index
        %get3A_503 = tpu.vector_load %arg13[%get3A_499, %get3A_500, %get3A_501, %get3A_502] {strides = array<i32>} : memref<2x3x128x128xf32, #tpu.memory_space<vmem>>, vector<1x1x1x16xf32>,
        %get3A_504 = vector.shape_cast %get3A_503 : vector<1x1x1x16xf32> to vector<16xf32>
        %get3A_505 = arith.constant 2 : i32
        %get3A_506 = arith.index_cast %rem3A_65 : i32 to index
        %get3A_507 = arith.index_cast %get3A_505 : i32 to index
        %get3A_508 = arith.index_cast %add3A_307 : i32 to index
        %get3A_509 = arith.constant 112 : index
        %get3A_510 = tpu.vector_load %arg13[%get3A_506, %get3A_507, %get3A_508, %get3A_509] {strides = array<i32>} : memref<2x3x128x128xf32, #tpu.memory_space<vmem>>, vector<1x1x1x16xf32>,
        %get3A_511 = vector.shape_cast %get3A_510 : vector<1x1x1x16xf32> to vector<16xf32>
        %mul3A_512 = arith.mulf %get3A_497, %get3A_504 : vector<16xf32>
        %add3A_513 = arith.addf %add3A_463, %mul3A_512 : vector<16xf32>
        %mul3A_514 = arith.mulf %get3A_497, %get3A_511 : vector<16xf32>
        %add3A_515 = arith.addf %add3A_465, %mul3A_514 : vector<16xf32>
        %add3A_516 = arith.addf %add3A_488, %add3A_490 : vector<16xf32>
        %add3A_517 = arith.addf %add3A_513, %add3A_515 : vector<16xf32>
        %add3A_518 = arith.addf %add3A_516, %add3A_517 : vector<16xf32>
        %lt3A = arith.constant 8 : i32
        %lt3A_519 = vector.broadcast %lt3A : i32 to vector<16xi32>
        %lt3A_520 = arith.cmpi slt, %iota3A, %lt3A_519 : vector<16xi32>
        %xor3A = arith.constant 8 : i32
        %xor3A_521 = vector.broadcast %xor3A : i32 to vector<16xi32>
        %xor3A_522 = arith.xori %iota3A, %xor3A_521 : vector<16xi32>
        %lt3A_523 = arith.constant 0 : i32
        %lt3A_524 = vector.broadcast %lt3A_523 : i32 to vector<16xi32>
        %lt3A_525 = arith.cmpi slt, %xor3A_522, %lt3A_524 : vector<16xi32>
        %add3A_526 = arith.constant 16 : i32
        %add3A_527 = vector.broadcast %add3A_526 : i32 to vector<16xi32>
        %add3A_528 = arith.addi %xor3A_522, %add3A_527 : vector<16xi32>
        %select_n3A_529 = arith.select %lt3A_525, %add3A_528, %xor3A_522 : vector<16xi1>, vector<16xi32>
        %broadcast_in_dim3A_530 = vector.shape_cast %select_n3A_529 : vector<16xi32> to vector<16x1xi32>
        %gather3A = vector.shape_cast %broadcast_in_dim3A_530 : vector<16x1xi32> to vector<16xi32>
        %gather3A_531 = tpu.dynamic_gather %add3A_304[%gather3A] in [0] : vector<16xf32>, vector<16xi32> -> vector<16xf32>
        %add3A_532 = arith.addf %add3A_304, %gather3A_531 : vector<16xf32>
        %xor3A_533 = arith.constant 8 : i32
        %xor3A_534 = vector.broadcast %xor3A_533 : i32 to vector<16xi32>
        %xor3A_535 = arith.xori %iota3A, %xor3A_534 : vector<16xi32>
        %lt3A_536 = arith.constant 0 : i32
        %lt3A_537 = vector.broadcast %lt3A_536 : i32 to vector<16xi32>
        %lt3A_538 = arith.cmpi slt, %xor3A_535, %lt3A_537 : vector<16xi32>
        %add3A_539 = arith.constant 16 : i32
        %add3A_540 = vector.broadcast %add3A_539 : i32 to vector<16xi32>
        %add3A_541 = arith.addi %xor3A_535, %add3A_540 : vector<16xi32>
        %select_n3A_542 = arith.select %lt3A_538, %add3A_541, %xor3A_535 : vector<16xi1>, vector<16xi32>
        %broadcast_in_dim3A_543 = vector.shape_cast %select_n3A_542 : vector<16xi32> to vector<16x1xi32>
        %gather3A_544 = vector.shape_cast %broadcast_in_dim3A_543 : vector<16x1xi32> to vector<16xi32>
        %gather3A_545 = tpu.dynamic_gather %add3A_518[%gather3A_544] in [0] : vector<16xf32>, vector<16xi32> -> vector<16xf32>
        %add3A_546 = arith.addf %add3A_518, %gather3A_545 : vector<16xf32>
        %select_n3A_547 = arith.select %lt3A_520, %add3A_532, %add3A_546 : vector<16xi1>, vector<16xf32>
        %xor3A_548 = arith.constant 4 : i32
        %xor3A_549 = vector.broadcast %xor3A_548 : i32 to vector<16xi32>
        %xor3A_550 = arith.xori %iota3A, %xor3A_549 : vector<16xi32>
        %lt3A_551 = arith.constant 0 : i32
        %lt3A_552 = vector.broadcast %lt3A_551 : i32 to vector<16xi32>
        %lt3A_553 = arith.cmpi slt, %xor3A_550, %lt3A_552 : vector<16xi32>
        %add3A_554 = arith.constant 16 : i32
        %add3A_555 = vector.broadcast %add3A_554 : i32 to vector<16xi32>
        %add3A_556 = arith.addi %xor3A_550, %add3A_555 : vector<16xi32>
        %select_n3A_557 = arith.select %lt3A_553, %add3A_556, %xor3A_550 : vector<16xi1>, vector<16xi32>
        %broadcast_in_dim3A_558 = vector.shape_cast %select_n3A_557 : vector<16xi32> to vector<16x1xi32>
        %gather3A_559 = vector.shape_cast %broadcast_in_dim3A_558 : vector<16x1xi32> to vector<16xi32>
        %gather3A_560 = tpu.dynamic_gather %select_n3A_547[%gather3A_559] in [0] : vector<16xf32>, vector<16xi32> -> vector<16xf32>
        %add3A_561 = arith.addf %select_n3A_547, %gather3A_560 : vector<16xf32>
        %xor3A_562 = arith.constant 2 : i32
        %xor3A_563 = vector.broadcast %xor3A_562 : i32 to vector<16xi32>
        %xor3A_564 = arith.xori %iota3A, %xor3A_563 : vector<16xi32>
        %lt3A_565 = arith.constant 0 : i32
        %lt3A_566 = vector.broadcast %lt3A_565 : i32 to vector<16xi32>
        %lt3A_567 = arith.cmpi slt, %xor3A_564, %lt3A_566 : vector<16xi32>
        %add3A_568 = arith.constant 16 : i32
        %add3A_569 = vector.broadcast %add3A_568 : i32 to vector<16xi32>
        %add3A_570 = arith.addi %xor3A_564, %add3A_569 : vector<16xi32>
        %select_n3A_571 = arith.select %lt3A_567, %add3A_570, %xor3A_564 : vector<16xi1>, vector<16xi32>
        %broadcast_in_dim3A_572 = vector.shape_cast %select_n3A_571 : vector<16xi32> to vector<16x1xi32>
        %gather3A_573 = vector.shape_cast %broadcast_in_dim3A_572 : vector<16x1xi32> to vector<16xi32>
        %gather3A_574 = tpu.dynamic_gather %add3A_561[%gather3A_573] in [0] : vector<16xf32>, vector<16xi32> -> vector<16xf32>
        %add3A_575 = arith.addf %add3A_561, %gather3A_574 : vector<16xf32>
        %xor3A_576 = arith.constant 1 : i32
        %xor3A_577 = vector.broadcast %xor3A_576 : i32 to vector<16xi32>
        %xor3A_578 = arith.xori %iota3A, %xor3A_577 : vector<16xi32>
        %lt3A_579 = arith.constant 0 : i32
        %lt3A_580 = vector.broadcast %lt3A_579 : i32 to vector<16xi32>
        %lt3A_581 = arith.cmpi slt, %xor3A_578, %lt3A_580 : vector<16xi32>
        %add3A_582 = arith.constant 16 : i32
        %add3A_583 = vector.broadcast %add3A_582 : i32 to vector<16xi32>
        %add3A_584 = arith.addi %xor3A_578, %add3A_583 : vector<16xi32>
        %select_n3A_585 = arith.select %lt3A_581, %add3A_584, %xor3A_578 : vector<16xi1>, vector<16xi32>
        %broadcast_in_dim3A_586 = vector.shape_cast %select_n3A_585 : vector<16xi32> to vector<16x1xi32>
        %gather3A_587 = vector.shape_cast %broadcast_in_dim3A_586 : vector<16x1xi32> to vector<16xi32>
        %gather3A_588 = tpu.dynamic_gather %add3A_575[%gather3A_587] in [0] : vector<16xf32>, vector<16xi32> -> vector<16xf32>
        %add3A_589 = arith.addf %add3A_575, %gather3A_588 : vector<16xf32>
        %and3A_590 = arith.constant 7 : i32
        %and3A_591 = vector.broadcast %and3A_590 : i32 to vector<16xi32>
        %and3A_592 = arith.andi %iota3A, %and3A_591 : vector<16xi32>
        %eq3A_593 = vector.broadcast %scan3A_91 : i32 to vector<16xi32>
        %eq3A_594 = arith.cmpi eq, %and3A_592, %eq3A_593 : vector<16xi32>
        %select_n3A_595 = arith.select %eq3A_594, %add3A_589, %scan3A_92 : vector<16xi1>, vector<16xf32>
        %scan3A_596 = arith.constant 1 : i32
        %scan3A_597 = arith.addi %scan3A_91, %scan3A_596 : i32
        %add3A_598 = arith.addi %mul3A_73, %scan3A_597 : i32
        %broadcast_in_dim3A_599 = arith.constant 0.000000e+00 : f32
        %broadcast_in_dim3A_600 = vector.broadcast %broadcast_in_dim3A_599 : f32 to vector<16xf32>
        %broadcast_in_dim3A_601 = arith.constant 0.000000e+00 : f32
        %broadcast_in_dim3A_602 = vector.broadcast %broadcast_in_dim3A_601 : f32 to vector<16xf32>
        %broadcast_in_dim3A_603 = arith.constant 0.000000e+00 : f32
        %broadcast_in_dim3A_604 = vector.broadcast %broadcast_in_dim3A_603 : f32 to vector<16xf32>
        %broadcast_in_dim3A_605 = arith.constant 0.000000e+00 : f32
        %broadcast_in_dim3A_606 = vector.broadcast %broadcast_in_dim3A_605 : f32 to vector<16xf32>
        %get3A_607 = arith.constant 0 : i32
        %get3A_608 = arith.index_cast %rem3A_65 : i32 to index
        %get3A_609 = arith.index_cast %get3A_607 : i32 to index
        %get3A_610 = arith.index_cast %add3A_598 : i32 to index
        %get3A_611 = arith.constant 0 : index
        %get3A_612 = tpu.vector_load %arg13[%get3A_608, %get3A_609, %get3A_610, %get3A_611] {strides = array<i32>} : memref<2x3x128x128xf32, #tpu.memory_space<vmem>>, vector<1x1x1x16xf32>,
        %get3A_613 = vector.shape_cast %get3A_612 : vector<1x1x1x16xf32> to vector<16xf32>
        %get3A_614 = arith.constant 1 : i32
        %get3A_615 = arith.index_cast %rem3A_65 : i32 to index
        %get3A_616 = arith.index_cast %get3A_614 : i32 to index
        %get3A_617 = arith.index_cast %add3A_598 : i32 to index
        %get3A_618 = arith.constant 0 : index
        %get3A_619 = tpu.vector_load %arg13[%get3A_615, %get3A_616, %get3A_617, %get3A_618] {strides = array<i32>} : memref<2x3x128x128xf32, #tpu.memory_space<vmem>>, vector<1x1x1x16xf32>,
        %get3A_620 = vector.shape_cast %get3A_619 : vector<1x1x1x16xf32> to vector<16xf32>
        %get3A_621 = arith.constant 2 : i32
        %get3A_622 = arith.index_cast %rem3A_65 : i32 to index
        %get3A_623 = arith.index_cast %get3A_621 : i32 to index
        %get3A_624 = arith.index_cast %add3A_598 : i32 to index
        %get3A_625 = arith.constant 0 : index
        %get3A_626 = tpu.vector_load %arg13[%get3A_622, %get3A_623, %get3A_624, %get3A_625] {strides = array<i32>} : memref<2x3x128x128xf32, #tpu.memory_space<vmem>>, vector<1x1x1x16xf32>,
        %get3A_627 = vector.shape_cast %get3A_626 : vector<1x1x1x16xf32> to vector<16xf32>
        %mul3A_628 = arith.mulf %get3A_613, %get3A_620 : vector<16xf32>
        %add3A_629 = arith.addf %broadcast_in_dim3A_600, %mul3A_628 : vector<16xf32>
        %mul3A_630 = arith.mulf %get3A_613, %get3A_627 : vector<16xf32>
        %add3A_631 = arith.addf %broadcast_in_dim3A_602, %mul3A_630 : vector<16xf32>
        %get3A_632 = arith.constant 0 : i32
        %get3A_633 = arith.index_cast %rem3A_65 : i32 to index
        %get3A_634 = arith.index_cast %get3A_632 : i32 to index
        %get3A_635 = arith.index_cast %add3A_598 : i32 to index
        %get3A_636 = arith.constant 16 : index
        %get3A_637 = tpu.vector_load %arg13[%get3A_633, %get3A_634, %get3A_635, %get3A_636] {strides = array<i32>} : memref<2x3x128x128xf32, #tpu.memory_space<vmem>>, vector<1x1x1x16xf32>,
        %get3A_638 = vector.shape_cast %get3A_637 : vector<1x1x1x16xf32> to vector<16xf32>
        %get3A_639 = arith.constant 1 : i32
        %get3A_640 = arith.index_cast %rem3A_65 : i32 to index
        %get3A_641 = arith.index_cast %get3A_639 : i32 to index
        %get3A_642 = arith.index_cast %add3A_598 : i32 to index
        %get3A_643 = arith.constant 16 : index
        %get3A_644 = tpu.vector_load %arg13[%get3A_640, %get3A_641, %get3A_642, %get3A_643] {strides = array<i32>} : memref<2x3x128x128xf32, #tpu.memory_space<vmem>>, vector<1x1x1x16xf32>,
        %get3A_645 = vector.shape_cast %get3A_644 : vector<1x1x1x16xf32> to vector<16xf32>
        %get3A_646 = arith.constant 2 : i32
        %get3A_647 = arith.index_cast %rem3A_65 : i32 to index
        %get3A_648 = arith.index_cast %get3A_646 : i32 to index
        %get3A_649 = arith.index_cast %add3A_598 : i32 to index
        %get3A_650 = arith.constant 16 : index
        %get3A_651 = tpu.vector_load %arg13[%get3A_647, %get3A_648, %get3A_649, %get3A_650] {strides = array<i32>} : memref<2x3x128x128xf32, #tpu.memory_space<vmem>>, vector<1x1x1x16xf32>,
        %get3A_652 = vector.shape_cast %get3A_651 : vector<1x1x1x16xf32> to vector<16xf32>
        %mul3A_653 = arith.mulf %get3A_638, %get3A_645 : vector<16xf32>
        %add3A_654 = arith.addf %broadcast_in_dim3A_604, %mul3A_653 : vector<16xf32>
        %mul3A_655 = arith.mulf %get3A_638, %get3A_652 : vector<16xf32>
        %add3A_656 = arith.addf %broadcast_in_dim3A_606, %mul3A_655 : vector<16xf32>
        %get3A_657 = arith.constant 0 : i32
        %get3A_658 = arith.index_cast %rem3A_65 : i32 to index
        %get3A_659 = arith.index_cast %get3A_657 : i32 to index
        %get3A_660 = arith.index_cast %add3A_598 : i32 to index
        %get3A_661 = arith.constant 32 : index
        %get3A_662 = tpu.vector_load %arg13[%get3A_658, %get3A_659, %get3A_660, %get3A_661] {strides = array<i32>} : memref<2x3x128x128xf32, #tpu.memory_space<vmem>>, vector<1x1x1x16xf32>,
        %get3A_663 = vector.shape_cast %get3A_662 : vector<1x1x1x16xf32> to vector<16xf32>
        %get3A_664 = arith.constant 1 : i32
        %get3A_665 = arith.index_cast %rem3A_65 : i32 to index
        %get3A_666 = arith.index_cast %get3A_664 : i32 to index
        %get3A_667 = arith.index_cast %add3A_598 : i32 to index
        %get3A_668 = arith.constant 32 : index
        %get3A_669 = tpu.vector_load %arg13[%get3A_665, %get3A_666, %get3A_667, %get3A_668] {strides = array<i32>} : memref<2x3x128x128xf32, #tpu.memory_space<vmem>>, vector<1x1x1x16xf32>,
        %get3A_670 = vector.shape_cast %get3A_669 : vector<1x1x1x16xf32> to vector<16xf32>
        %get3A_671 = arith.constant 2 : i32
        %get3A_672 = arith.index_cast %rem3A_65 : i32 to index
        %get3A_673 = arith.index_cast %get3A_671 : i32 to index
        %get3A_674 = arith.index_cast %add3A_598 : i32 to index
        %get3A_675 = arith.constant 32 : index
        %get3A_676 = tpu.vector_load %arg13[%get3A_672, %get3A_673, %get3A_674, %get3A_675] {strides = array<i32>} : memref<2x3x128x128xf32, #tpu.memory_space<vmem>>, vector<1x1x1x16xf32>,
        %get3A_677 = vector.shape_cast %get3A_676 : vector<1x1x1x16xf32> to vector<16xf32>
        %mul3A_678 = arith.mulf %get3A_663, %get3A_670 : vector<16xf32>
        %add3A_679 = arith.addf %add3A_629, %mul3A_678 : vector<16xf32>
        %mul3A_680 = arith.mulf %get3A_663, %get3A_677 : vector<16xf32>
        %add3A_681 = arith.addf %add3A_631, %mul3A_680 : vector<16xf32>
        %get3A_682 = arith.constant 0 : i32
        %get3A_683 = arith.index_cast %rem3A_65 : i32 to index
        %get3A_684 = arith.index_cast %get3A_682 : i32 to index
        %get3A_685 = arith.index_cast %add3A_598 : i32 to index
        %get3A_686 = arith.constant 48 : index
        %get3A_687 = tpu.vector_load %arg13[%get3A_683, %get3A_684, %get3A_685, %get3A_686] {strides = array<i32>} : memref<2x3x128x128xf32, #tpu.memory_space<vmem>>, vector<1x1x1x16xf32>,
        %get3A_688 = vector.shape_cast %get3A_687 : vector<1x1x1x16xf32> to vector<16xf32>
        %get3A_689 = arith.constant 1 : i32
        %get3A_690 = arith.index_cast %rem3A_65 : i32 to index
        %get3A_691 = arith.index_cast %get3A_689 : i32 to index
        %get3A_692 = arith.index_cast %add3A_598 : i32 to index
        %get3A_693 = arith.constant 48 : index
        %get3A_694 = tpu.vector_load %arg13[%get3A_690, %get3A_691, %get3A_692, %get3A_693] {strides = array<i32>} : memref<2x3x128x128xf32, #tpu.memory_space<vmem>>, vector<1x1x1x16xf32>,
        %get3A_695 = vector.shape_cast %get3A_694 : vector<1x1x1x16xf32> to vector<16xf32>
        %get3A_696 = arith.constant 2 : i32
        %get3A_697 = arith.index_cast %rem3A_65 : i32 to index
        %get3A_698 = arith.index_cast %get3A_696 : i32 to index
        %get3A_699 = arith.index_cast %add3A_598 : i32 to index
        %get3A_700 = arith.constant 48 : index
        %get3A_701 = tpu.vector_load %arg13[%get3A_697, %get3A_698, %get3A_699, %get3A_700] {strides = array<i32>} : memref<2x3x128x128xf32, #tpu.memory_space<vmem>>, vector<1x1x1x16xf32>,
        %get3A_702 = vector.shape_cast %get3A_701 : vector<1x1x1x16xf32> to vector<16xf32>
        %mul3A_703 = arith.mulf %get3A_688, %get3A_695 : vector<16xf32>
        %add3A_704 = arith.addf %add3A_654, %mul3A_703 : vector<16xf32>
        %mul3A_705 = arith.mulf %get3A_688, %get3A_702 : vector<16xf32>
        %add3A_706 = arith.addf %add3A_656, %mul3A_705 : vector<16xf32>
        %get3A_707 = arith.constant 0 : i32
        %get3A_708 = arith.index_cast %rem3A_65 : i32 to index
        %get3A_709 = arith.index_cast %get3A_707 : i32 to index
        %get3A_710 = arith.index_cast %add3A_598 : i32 to index
        %get3A_711 = arith.constant 64 : index
        %get3A_712 = tpu.vector_load %arg13[%get3A_708, %get3A_709, %get3A_710, %get3A_711] {strides = array<i32>} : memref<2x3x128x128xf32, #tpu.memory_space<vmem>>, vector<1x1x1x16xf32>,
        %get3A_713 = vector.shape_cast %get3A_712 : vector<1x1x1x16xf32> to vector<16xf32>
        %get3A_714 = arith.constant 1 : i32
        %get3A_715 = arith.index_cast %rem3A_65 : i32 to index
        %get3A_716 = arith.index_cast %get3A_714 : i32 to index
        %get3A_717 = arith.index_cast %add3A_598 : i32 to index
        %get3A_718 = arith.constant 64 : index
        %get3A_719 = tpu.vector_load %arg13[%get3A_715, %get3A_716, %get3A_717, %get3A_718] {strides = array<i32>} : memref<2x3x128x128xf32, #tpu.memory_space<vmem>>, vector<1x1x1x16xf32>,
        %get3A_720 = vector.shape_cast %get3A_719 : vector<1x1x1x16xf32> to vector<16xf32>
        %get3A_721 = arith.constant 2 : i32
        %get3A_722 = arith.index_cast %rem3A_65 : i32 to index
        %get3A_723 = arith.index_cast %get3A_721 : i32 to index
        %get3A_724 = arith.index_cast %add3A_598 : i32 to index
        %get3A_725 = arith.constant 64 : index
        %get3A_726 = tpu.vector_load %arg13[%get3A_722, %get3A_723, %get3A_724, %get3A_725] {strides = array<i32>} : memref<2x3x128x128xf32, #tpu.memory_space<vmem>>, vector<1x1x1x16xf32>,
        %get3A_727 = vector.shape_cast %get3A_726 : vector<1x1x1x16xf32> to vector<16xf32>
        %mul3A_728 = arith.mulf %get3A_713, %get3A_720 : vector<16xf32>
        %add3A_729 = arith.addf %add3A_679, %mul3A_728 : vector<16xf32>
        %mul3A_730 = arith.mulf %get3A_713, %get3A_727 : vector<16xf32>
        %add3A_731 = arith.addf %add3A_681, %mul3A_730 : vector<16xf32>
        %get3A_732 = arith.constant 0 : i32
        %get3A_733 = arith.index_cast %rem3A_65 : i32 to index
        %get3A_734 = arith.index_cast %get3A_732 : i32 to index
        %get3A_735 = arith.index_cast %add3A_598 : i32 to index
        %get3A_736 = arith.constant 80 : index
        %get3A_737 = tpu.vector_load %arg13[%get3A_733, %get3A_734, %get3A_735, %get3A_736] {strides = array<i32>} : memref<2x3x128x128xf32, #tpu.memory_space<vmem>>, vector<1x1x1x16xf32>,
        %get3A_738 = vector.shape_cast %get3A_737 : vector<1x1x1x16xf32> to vector<16xf32>
        %get3A_739 = arith.constant 1 : i32
        %get3A_740 = arith.index_cast %rem3A_65 : i32 to index
        %get3A_741 = arith.index_cast %get3A_739 : i32 to index
        %get3A_742 = arith.index_cast %add3A_598 : i32 to index
        %get3A_743 = arith.constant 80 : index
        %get3A_744 = tpu.vector_load %arg13[%get3A_740, %get3A_741, %get3A_742, %get3A_743] {strides = array<i32>} : memref<2x3x128x128xf32, #tpu.memory_space<vmem>>, vector<1x1x1x16xf32>,
        %get3A_745 = vector.shape_cast %get3A_744 : vector<1x1x1x16xf32> to vector<16xf32>
        %get3A_746 = arith.constant 2 : i32
        %get3A_747 = arith.index_cast %rem3A_65 : i32 to index
        %get3A_748 = arith.index_cast %get3A_746 : i32 to index
        %get3A_749 = arith.index_cast %add3A_598 : i32 to index
        %get3A_750 = arith.constant 80 : index
        %get3A_751 = tpu.vector_load %arg13[%get3A_747, %get3A_748, %get3A_749, %get3A_750] {strides = array<i32>} : memref<2x3x128x128xf32, #tpu.memory_space<vmem>>, vector<1x1x1x16xf32>,
        %get3A_752 = vector.shape_cast %get3A_751 : vector<1x1x1x16xf32> to vector<16xf32>
        %mul3A_753 = arith.mulf %get3A_738, %get3A_745 : vector<16xf32>
        %add3A_754 = arith.addf %add3A_704, %mul3A_753 : vector<16xf32>
        %mul3A_755 = arith.mulf %get3A_738, %get3A_752 : vector<16xf32>
        %add3A_756 = arith.addf %add3A_706, %mul3A_755 : vector<16xf32>
        %get3A_757 = arith.constant 0 : i32
        %get3A_758 = arith.index_cast %rem3A_65 : i32 to index
        %get3A_759 = arith.index_cast %get3A_757 : i32 to index
        %get3A_760 = arith.index_cast %add3A_598 : i32 to index
        %get3A_761 = arith.constant 96 : index
        %get3A_762 = tpu.vector_load %arg13[%get3A_758, %get3A_759, %get3A_760, %get3A_761] {strides = array<i32>} : memref<2x3x128x128xf32, #tpu.memory_space<vmem>>, vector<1x1x1x16xf32>,
        %get3A_763 = vector.shape_cast %get3A_762 : vector<1x1x1x16xf32> to vector<16xf32>
        %get3A_764 = arith.constant 1 : i32
        %get3A_765 = arith.index_cast %rem3A_65 : i32 to index
        %get3A_766 = arith.index_cast %get3A_764 : i32 to index
        %get3A_767 = arith.index_cast %add3A_598 : i32 to index
        %get3A_768 = arith.constant 96 : index
        %get3A_769 = tpu.vector_load %arg13[%get3A_765, %get3A_766, %get3A_767, %get3A_768] {strides = array<i32>} : memref<2x3x128x128xf32, #tpu.memory_space<vmem>>, vector<1x1x1x16xf32>,
        %get3A_770 = vector.shape_cast %get3A_769 : vector<1x1x1x16xf32> to vector<16xf32>
        %get3A_771 = arith.constant 2 : i32
        %get3A_772 = arith.index_cast %rem3A_65 : i32 to index
        %get3A_773 = arith.index_cast %get3A_771 : i32 to index
        %get3A_774 = arith.index_cast %add3A_598 : i32 to index
        %get3A_775 = arith.constant 96 : index
        %get3A_776 = tpu.vector_load %arg13[%get3A_772, %get3A_773, %get3A_774, %get3A_775] {strides = array<i32>} : memref<2x3x128x128xf32, #tpu.memory_space<vmem>>, vector<1x1x1x16xf32>,
        %get3A_777 = vector.shape_cast %get3A_776 : vector<1x1x1x16xf32> to vector<16xf32>
        %mul3A_778 = arith.mulf %get3A_763, %get3A_770 : vector<16xf32>
        %add3A_779 = arith.addf %add3A_729, %mul3A_778 : vector<16xf32>
        %mul3A_780 = arith.mulf %get3A_763, %get3A_777 : vector<16xf32>
        %add3A_781 = arith.addf %add3A_731, %mul3A_780 : vector<16xf32>
        %get3A_782 = arith.constant 0 : i32
        %get3A_783 = arith.index_cast %rem3A_65 : i32 to index
        %get3A_784 = arith.index_cast %get3A_782 : i32 to index
        %get3A_785 = arith.index_cast %add3A_598 : i32 to index
        %get3A_786 = arith.constant 112 : index
        %get3A_787 = tpu.vector_load %arg13[%get3A_783, %get3A_784, %get3A_785, %get3A_786] {strides = array<i32>} : memref<2x3x128x128xf32, #tpu.memory_space<vmem>>, vector<1x1x1x16xf32>,
        %get3A_788 = vector.shape_cast %get3A_787 : vector<1x1x1x16xf32> to vector<16xf32>
        %get3A_789 = arith.constant 1 : i32
        %get3A_790 = arith.index_cast %rem3A_65 : i32 to index
        %get3A_791 = arith.index_cast %get3A_789 : i32 to index
        %get3A_792 = arith.index_cast %add3A_598 : i32 to index
        %get3A_793 = arith.constant 112 : index
        %get3A_794 = tpu.vector_load %arg13[%get3A_790, %get3A_791, %get3A_792, %get3A_793] {strides = array<i32>} : memref<2x3x128x128xf32, #tpu.memory_space<vmem>>, vector<1x1x1x16xf32>,
        %get3A_795 = vector.shape_cast %get3A_794 : vector<1x1x1x16xf32> to vector<16xf32>
        %get3A_796 = arith.constant 2 : i32
        %get3A_797 = arith.index_cast %rem3A_65 : i32 to index
        %get3A_798 = arith.index_cast %get3A_796 : i32 to index
        %get3A_799 = arith.index_cast %add3A_598 : i32 to index
        %get3A_800 = arith.constant 112 : index
        %get3A_801 = tpu.vector_load %arg13[%get3A_797, %get3A_798, %get3A_799, %get3A_800] {strides = array<i32>} : memref<2x3x128x128xf32, #tpu.memory_space<vmem>>, vector<1x1x1x16xf32>,
        %get3A_802 = vector.shape_cast %get3A_801 : vector<1x1x1x16xf32> to vector<16xf32>
        %mul3A_803 = arith.mulf %get3A_788, %get3A_795 : vector<16xf32>
        %add3A_804 = arith.addf %add3A_754, %mul3A_803 : vector<16xf32>
        %mul3A_805 = arith.mulf %get3A_788, %get3A_802 : vector<16xf32>
        %add3A_806 = arith.addf %add3A_756, %mul3A_805 : vector<16xf32>
        %add3A_807 = arith.addf %add3A_779, %add3A_781 : vector<16xf32>
        %add3A_808 = arith.addf %add3A_804, %add3A_806 : vector<16xf32>
        %add3A_809 = arith.addf %add3A_807, %add3A_808 : vector<16xf32>
        %add3A_810 = arith.addi %mul3A_73, %scan3A_597 : i32
        %add3A_811 = arith.constant 8 : i32
        %add3A_812 = arith.addi %add3A_810, %add3A_811 : i32
        %broadcast_in_dim3A_813 = arith.constant 0.000000e+00 : f32
        %broadcast_in_dim3A_814 = vector.broadcast %broadcast_in_dim3A_813 : f32 to vector<16xf32>
        %broadcast_in_dim3A_815 = arith.constant 0.000000e+00 : f32
        %broadcast_in_dim3A_816 = vector.broadcast %broadcast_in_dim3A_815 : f32 to vector<16xf32>
        %broadcast_in_dim3A_817 = arith.constant 0.000000e+00 : f32
        %broadcast_in_dim3A_818 = vector.broadcast %broadcast_in_dim3A_817 : f32 to vector<16xf32>
        %broadcast_in_dim3A_819 = arith.constant 0.000000e+00 : f32
        %broadcast_in_dim3A_820 = vector.broadcast %broadcast_in_dim3A_819 : f32 to vector<16xf32>
        %get3A_821 = arith.constant 0 : i32
        %get3A_822 = arith.index_cast %rem3A_65 : i32 to index
        %get3A_823 = arith.index_cast %get3A_821 : i32 to index
        %get3A_824 = arith.index_cast %add3A_812 : i32 to index
        %get3A_825 = arith.constant 0 : index
        %get3A_826 = tpu.vector_load %arg13[%get3A_822, %get3A_823, %get3A_824, %get3A_825] {strides = array<i32>} : memref<2x3x128x128xf32, #tpu.memory_space<vmem>>, vector<1x1x1x16xf32>,
        %get3A_827 = vector.shape_cast %get3A_826 : vector<1x1x1x16xf32> to vector<16xf32>
        %get3A_828 = arith.constant 1 : i32
        %get3A_829 = arith.index_cast %rem3A_65 : i32 to index
        %get3A_830 = arith.index_cast %get3A_828 : i32 to index
        %get3A_831 = arith.index_cast %add3A_812 : i32 to index
        %get3A_832 = arith.constant 0 : index
        %get3A_833 = tpu.vector_load %arg13[%get3A_829, %get3A_830, %get3A_831, %get3A_832] {strides = array<i32>} : memref<2x3x128x128xf32, #tpu.memory_space<vmem>>, vector<1x1x1x16xf32>,
        %get3A_834 = vector.shape_cast %get3A_833 : vector<1x1x1x16xf32> to vector<16xf32>
        %get3A_835 = arith.constant 2 : i32
        %get3A_836 = arith.index_cast %rem3A_65 : i32 to index
        %get3A_837 = arith.index_cast %get3A_835 : i32 to index
        %get3A_838 = arith.index_cast %add3A_812 : i32 to index
        %get3A_839 = arith.constant 0 : index
        %get3A_840 = tpu.vector_load %arg13[%get3A_836, %get3A_837, %get3A_838, %get3A_839] {strides = array<i32>} : memref<2x3x128x128xf32, #tpu.memory_space<vmem>>, vector<1x1x1x16xf32>,
        %get3A_841 = vector.shape_cast %get3A_840 : vector<1x1x1x16xf32> to vector<16xf32>
        %mul3A_842 = arith.mulf %get3A_827, %get3A_834 : vector<16xf32>
        %add3A_843 = arith.addf %broadcast_in_dim3A_814, %mul3A_842 : vector<16xf32>
        %mul3A_844 = arith.mulf %get3A_827, %get3A_841 : vector<16xf32>
        %add3A_845 = arith.addf %broadcast_in_dim3A_816, %mul3A_844 : vector<16xf32>
        %get3A_846 = arith.constant 0 : i32
        %get3A_847 = arith.index_cast %rem3A_65 : i32 to index
        %get3A_848 = arith.index_cast %get3A_846 : i32 to index
        %get3A_849 = arith.index_cast %add3A_812 : i32 to index
        %get3A_850 = arith.constant 16 : index
        %get3A_851 = tpu.vector_load %arg13[%get3A_847, %get3A_848, %get3A_849, %get3A_850] {strides = array<i32>} : memref<2x3x128x128xf32, #tpu.memory_space<vmem>>, vector<1x1x1x16xf32>,
        %get3A_852 = vector.shape_cast %get3A_851 : vector<1x1x1x16xf32> to vector<16xf32>
        %get3A_853 = arith.constant 1 : i32
        %get3A_854 = arith.index_cast %rem3A_65 : i32 to index
        %get3A_855 = arith.index_cast %get3A_853 : i32 to index
        %get3A_856 = arith.index_cast %add3A_812 : i32 to index
        %get3A_857 = arith.constant 16 : index
        %get3A_858 = tpu.vector_load %arg13[%get3A_854, %get3A_855, %get3A_856, %get3A_857] {strides = array<i32>} : memref<2x3x128x128xf32, #tpu.memory_space<vmem>>, vector<1x1x1x16xf32>,
        %get3A_859 = vector.shape_cast %get3A_858 : vector<1x1x1x16xf32> to vector<16xf32>
        %get3A_860 = arith.constant 2 : i32
        %get3A_861 = arith.index_cast %rem3A_65 : i32 to index
        %get3A_862 = arith.index_cast %get3A_860 : i32 to index
        %get3A_863 = arith.index_cast %add3A_812 : i32 to index
        %get3A_864 = arith.constant 16 : index
        %get3A_865 = tpu.vector_load %arg13[%get3A_861, %get3A_862, %get3A_863, %get3A_864] {strides = array<i32>} : memref<2x3x128x128xf32, #tpu.memory_space<vmem>>, vector<1x1x1x16xf32>,
        %get3A_866 = vector.shape_cast %get3A_865 : vector<1x1x1x16xf32> to vector<16xf32>
        %mul3A_867 = arith.mulf %get3A_852, %get3A_859 : vector<16xf32>
        %add3A_868 = arith.addf %broadcast_in_dim3A_818, %mul3A_867 : vector<16xf32>
        %mul3A_869 = arith.mulf %get3A_852, %get3A_866 : vector<16xf32>
        %add3A_870 = arith.addf %broadcast_in_dim3A_820, %mul3A_869 : vector<16xf32>
        %get3A_871 = arith.constant 0 : i32
        %get3A_872 = arith.index_cast %rem3A_65 : i32 to index
        %get3A_873 = arith.index_cast %get3A_871 : i32 to index
        %get3A_874 = arith.index_cast %add3A_812 : i32 to index
        %get3A_875 = arith.constant 32 : index
        %get3A_876 = tpu.vector_load %arg13[%get3A_872, %get3A_873, %get3A_874, %get3A_875] {strides = array<i32>} : memref<2x3x128x128xf32, #tpu.memory_space<vmem>>, vector<1x1x1x16xf32>,
        %get3A_877 = vector.shape_cast %get3A_876 : vector<1x1x1x16xf32> to vector<16xf32>
        %get3A_878 = arith.constant 1 : i32
        %get3A_879 = arith.index_cast %rem3A_65 : i32 to index
        %get3A_880 = arith.index_cast %get3A_878 : i32 to index
        %get3A_881 = arith.index_cast %add3A_812 : i32 to index
        %get3A_882 = arith.constant 32 : index
        %get3A_883 = tpu.vector_load %arg13[%get3A_879, %get3A_880, %get3A_881, %get3A_882] {strides = array<i32>} : memref<2x3x128x128xf32, #tpu.memory_space<vmem>>, vector<1x1x1x16xf32>,
        %get3A_884 = vector.shape_cast %get3A_883 : vector<1x1x1x16xf32> to vector<16xf32>
        %get3A_885 = arith.constant 2 : i32
        %get3A_886 = arith.index_cast %rem3A_65 : i32 to index
        %get3A_887 = arith.index_cast %get3A_885 : i32 to index
        %get3A_888 = arith.index_cast %add3A_812 : i32 to index
        %get3A_889 = arith.constant 32 : index
        %get3A_890 = tpu.vector_load %arg13[%get3A_886, %get3A_887, %get3A_888, %get3A_889] {strides = array<i32>} : memref<2x3x128x128xf32, #tpu.memory_space<vmem>>, vector<1x1x1x16xf32>,
        %get3A_891 = vector.shape_cast %get3A_890 : vector<1x1x1x16xf32> to vector<16xf32>
        %mul3A_892 = arith.mulf %get3A_877, %get3A_884 : vector<16xf32>
        %add3A_893 = arith.addf %add3A_843, %mul3A_892 : vector<16xf32>
        %mul3A_894 = arith.mulf %get3A_877, %get3A_891 : vector<16xf32>
        %add3A_895 = arith.addf %add3A_845, %mul3A_894 : vector<16xf32>
        %get3A_896 = arith.constant 0 : i32
        %get3A_897 = arith.index_cast %rem3A_65 : i32 to index
        %get3A_898 = arith.index_cast %get3A_896 : i32 to index
        %get3A_899 = arith.index_cast %add3A_812 : i32 to index
        %get3A_900 = arith.constant 48 : index
        %get3A_901 = tpu.vector_load %arg13[%get3A_897, %get3A_898, %get3A_899, %get3A_900] {strides = array<i32>} : memref<2x3x128x128xf32, #tpu.memory_space<vmem>>, vector<1x1x1x16xf32>,
        %get3A_902 = vector.shape_cast %get3A_901 : vector<1x1x1x16xf32> to vector<16xf32>
        %get3A_903 = arith.constant 1 : i32
        %get3A_904 = arith.index_cast %rem3A_65 : i32 to index
        %get3A_905 = arith.index_cast %get3A_903 : i32 to index
        %get3A_906 = arith.index_cast %add3A_812 : i32 to index
        %get3A_907 = arith.constant 48 : index
        %get3A_908 = tpu.vector_load %arg13[%get3A_904, %get3A_905, %get3A_906, %get3A_907] {strides = array<i32>} : memref<2x3x128x128xf32, #tpu.memory_space<vmem>>, vector<1x1x1x16xf32>,
        %get3A_909 = vector.shape_cast %get3A_908 : vector<1x1x1x16xf32> to vector<16xf32>
        %get3A_910 = arith.constant 2 : i32
        %get3A_911 = arith.index_cast %rem3A_65 : i32 to index
        %get3A_912 = arith.index_cast %get3A_910 : i32 to index
        %get3A_913 = arith.index_cast %add3A_812 : i32 to index
        %get3A_914 = arith.constant 48 : index
        %get3A_915 = tpu.vector_load %arg13[%get3A_911, %get3A_912, %get3A_913, %get3A_914] {strides = array<i32>} : memref<2x3x128x128xf32, #tpu.memory_space<vmem>>, vector<1x1x1x16xf32>,
        %get3A_916 = vector.shape_cast %get3A_915 : vector<1x1x1x16xf32> to vector<16xf32>
        %mul3A_917 = arith.mulf %get3A_902, %get3A_909 : vector<16xf32>
        %add3A_918 = arith.addf %add3A_868, %mul3A_917 : vector<16xf32>
        %mul3A_919 = arith.mulf %get3A_902, %get3A_916 : vector<16xf32>
        %add3A_920 = arith.addf %add3A_870, %mul3A_919 : vector<16xf32>
        %get3A_921 = arith.constant 0 : i32
        %get3A_922 = arith.index_cast %rem3A_65 : i32 to index
        %get3A_923 = arith.index_cast %get3A_921 : i32 to index
        %get3A_924 = arith.index_cast %add3A_812 : i32 to index
        %get3A_925 = arith.constant 64 : index
        %get3A_926 = tpu.vector_load %arg13[%get3A_922, %get3A_923, %get3A_924, %get3A_925] {strides = array<i32>} : memref<2x3x128x128xf32, #tpu.memory_space<vmem>>, vector<1x1x1x16xf32>,
        %get3A_927 = vector.shape_cast %get3A_926 : vector<1x1x1x16xf32> to vector<16xf32>
        %get3A_928 = arith.constant 1 : i32
        %get3A_929 = arith.index_cast %rem3A_65 : i32 to index
        %get3A_930 = arith.index_cast %get3A_928 : i32 to index
        %get3A_931 = arith.index_cast %add3A_812 : i32 to index
        %get3A_932 = arith.constant 64 : index
        %get3A_933 = tpu.vector_load %arg13[%get3A_929, %get3A_930, %get3A_931, %get3A_932] {strides = array<i32>} : memref<2x3x128x128xf32, #tpu.memory_space<vmem>>, vector<1x1x1x16xf32>,
        %get3A_934 = vector.shape_cast %get3A_933 : vector<1x1x1x16xf32> to vector<16xf32>
        %get3A_935 = arith.constant 2 : i32
        %get3A_936 = arith.index_cast %rem3A_65 : i32 to index
        %get3A_937 = arith.index_cast %get3A_935 : i32 to index
        %get3A_938 = arith.index_cast %add3A_812 : i32 to index
        %get3A_939 = arith.constant 64 : index
        %get3A_940 = tpu.vector_load %arg13[%get3A_936, %get3A_937, %get3A_938, %get3A_939] {strides = array<i32>} : memref<2x3x128x128xf32, #tpu.memory_space<vmem>>, vector<1x1x1x16xf32>,
        %get3A_941 = vector.shape_cast %get3A_940 : vector<1x1x1x16xf32> to vector<16xf32>
        %mul3A_942 = arith.mulf %get3A_927, %get3A_934 : vector<16xf32>
        %add3A_943 = arith.addf %add3A_893, %mul3A_942 : vector<16xf32>
        %mul3A_944 = arith.mulf %get3A_927, %get3A_941 : vector<16xf32>
        %add3A_945 = arith.addf %add3A_895, %mul3A_944 : vector<16xf32>
        %get3A_946 = arith.constant 0 : i32
        %get3A_947 = arith.index_cast %rem3A_65 : i32 to index
        %get3A_948 = arith.index_cast %get3A_946 : i32 to index
        %get3A_949 = arith.index_cast %add3A_812 : i32 to index
        %get3A_950 = arith.constant 80 : index
        %get3A_951 = tpu.vector_load %arg13[%get3A_947, %get3A_948, %get3A_949, %get3A_950] {strides = array<i32>} : memref<2x3x128x128xf32, #tpu.memory_space<vmem>>, vector<1x1x1x16xf32>,
        %get3A_952 = vector.shape_cast %get3A_951 : vector<1x1x1x16xf32> to vector<16xf32>
        %get3A_953 = arith.constant 1 : i32
        %get3A_954 = arith.index_cast %rem3A_65 : i32 to index
        %get3A_955 = arith.index_cast %get3A_953 : i32 to index
        %get3A_956 = arith.index_cast %add3A_812 : i32 to index
        %get3A_957 = arith.constant 80 : index
        %get3A_958 = tpu.vector_load %arg13[%get3A_954, %get3A_955, %get3A_956, %get3A_957] {strides = array<i32>} : memref<2x3x128x128xf32, #tpu.memory_space<vmem>>, vector<1x1x1x16xf32>,
        %get3A_959 = vector.shape_cast %get3A_958 : vector<1x1x1x16xf32> to vector<16xf32>
        %get3A_960 = arith.constant 2 : i32
        %get3A_961 = arith.index_cast %rem3A_65 : i32 to index
        %get3A_962 = arith.index_cast %get3A_960 : i32 to index
        %get3A_963 = arith.index_cast %add3A_812 : i32 to index
        %get3A_964 = arith.constant 80 : index
        %get3A_965 = tpu.vector_load %arg13[%get3A_961, %get3A_962, %get3A_963, %get3A_964] {strides = array<i32>} : memref<2x3x128x128xf32, #tpu.memory_space<vmem>>, vector<1x1x1x16xf32>,
        %get3A_966 = vector.shape_cast %get3A_965 : vector<1x1x1x16xf32> to vector<16xf32>
        %mul3A_967 = arith.mulf %get3A_952, %get3A_959 : vector<16xf32>
        %add3A_968 = arith.addf %add3A_918, %mul3A_967 : vector<16xf32>
        %mul3A_969 = arith.mulf %get3A_952, %get3A_966 : vector<16xf32>
        %add3A_970 = arith.addf %add3A_920, %mul3A_969 : vector<16xf32>
        %get3A_971 = arith.constant 0 : i32
        %get3A_972 = arith.index_cast %rem3A_65 : i32 to index
        %get3A_973 = arith.index_cast %get3A_971 : i32 to index
        %get3A_974 = arith.index_cast %add3A_812 : i32 to index
        %get3A_975 = arith.constant 96 : index
        %get3A_976 = tpu.vector_load %arg13[%get3A_972, %get3A_973, %get3A_974, %get3A_975] {strides = array<i32>} : memref<2x3x128x128xf32, #tpu.memory_space<vmem>>, vector<1x1x1x16xf32>,
        %get3A_977 = vector.shape_cast %get3A_976 : vector<1x1x1x16xf32> to vector<16xf32>
        %get3A_978 = arith.constant 1 : i32
        %get3A_979 = arith.index_cast %rem3A_65 : i32 to index
        %get3A_980 = arith.index_cast %get3A_978 : i32 to index
        %get3A_981 = arith.index_cast %add3A_812 : i32 to index
        %get3A_982 = arith.constant 96 : index
        %get3A_983 = tpu.vector_load %arg13[%get3A_979, %get3A_980, %get3A_981, %get3A_982] {strides = array<i32>} : memref<2x3x128x128xf32, #tpu.memory_space<vmem>>, vector<1x1x1x16xf32>,
        %get3A_984 = vector.shape_cast %get3A_983 : vector<1x1x1x16xf32> to vector<16xf32>
        %get3A_985 = arith.constant 2 : i32
        %get3A_986 = arith.index_cast %rem3A_65 : i32 to index
        %get3A_987 = arith.index_cast %get3A_985 : i32 to index
        %get3A_988 = arith.index_cast %add3A_812 : i32 to index
        %get3A_989 = arith.constant 96 : index
        %get3A_990 = tpu.vector_load %arg13[%get3A_986, %get3A_987, %get3A_988, %get3A_989] {strides = array<i32>} : memref<2x3x128x128xf32, #tpu.memory_space<vmem>>, vector<1x1x1x16xf32>,
        %get3A_991 = vector.shape_cast %get3A_990 : vector<1x1x1x16xf32> to vector<16xf32>
        %mul3A_992 = arith.mulf %get3A_977, %get3A_984 : vector<16xf32>
        %add3A_993 = arith.addf %add3A_943, %mul3A_992 : vector<16xf32>
        %mul3A_994 = arith.mulf %get3A_977, %get3A_991 : vector<16xf32>
        %add3A_995 = arith.addf %add3A_945, %mul3A_994 : vector<16xf32>
        %get3A_996 = arith.constant 0 : i32
        %get3A_997 = arith.index_cast %rem3A_65 : i32 to index
        %get3A_998 = arith.index_cast %get3A_996 : i32 to index
        %get3A_999 = arith.index_cast %add3A_812 : i32 to index
        %get3A_1000 = arith.constant 112 : index
        %get3A_1001 = tpu.vector_load %arg13[%get3A_997, %get3A_998, %get3A_999, %get3A_1000] {strides = array<i32>} : memref<2x3x128x128xf32, #tpu.memory_space<vmem>>, vector<1x1x1x16xf32>,
        %get3A_1002 = vector.shape_cast %get3A_1001 : vector<1x1x1x16xf32> to vector<16xf32>
        %get3A_1003 = arith.constant 1 : i32
        %get3A_1004 = arith.index_cast %rem3A_65 : i32 to index
        %get3A_1005 = arith.index_cast %get3A_1003 : i32 to index
        %get3A_1006 = arith.index_cast %add3A_812 : i32 to index
        %get3A_1007 = arith.constant 112 : index
        %get3A_1008 = tpu.vector_load %arg13[%get3A_1004, %get3A_1005, %get3A_1006, %get3A_1007] {strides = array<i32>} : memref<2x3x128x128xf32, #tpu.memory_space<vmem>>, vector<1x1x1x16xf32>,
        %get3A_1009 = vector.shape_cast %get3A_1008 : vector<1x1x1x16xf32> to vector<16xf32>
        %get3A_1010 = arith.constant 2 : i32
        %get3A_1011 = arith.index_cast %rem3A_65 : i32 to index
        %get3A_1012 = arith.index_cast %get3A_1010 : i32 to index
        %get3A_1013 = arith.index_cast %add3A_812 : i32 to index
        %get3A_1014 = arith.constant 112 : index
        %get3A_1015 = tpu.vector_load %arg13[%get3A_1011, %get3A_1012, %get3A_1013, %get3A_1014] {strides = array<i32>} : memref<2x3x128x128xf32, #tpu.memory_space<vmem>>, vector<1x1x1x16xf32>,
        %get3A_1016 = vector.shape_cast %get3A_1015 : vector<1x1x1x16xf32> to vector<16xf32>
        %mul3A_1017 = arith.mulf %get3A_1002, %get3A_1009 : vector<16xf32>
        %add3A_1018 = arith.addf %add3A_968, %mul3A_1017 : vector<16xf32>
        %mul3A_1019 = arith.mulf %get3A_1002, %get3A_1016 : vector<16xf32>
        %add3A_1020 = arith.addf %add3A_970, %mul3A_1019 : vector<16xf32>
        %add3A_1021 = arith.addf %add3A_993, %add3A_995 : vector<16xf32>
        %add3A_1022 = arith.addf %add3A_1018, %add3A_1020 : vector<16xf32>
        %add3A_1023 = arith.addf %add3A_1021, %add3A_1022 : vector<16xf32>
        %lt3A_1024 = arith.constant 8 : i32
        %lt3A_1025 = vector.broadcast %lt3A_1024 : i32 to vector<16xi32>
        %lt3A_1026 = arith.cmpi slt, %iota3A, %lt3A_1025 : vector<16xi32>
        %xor3A_1027 = arith.constant 8 : i32
        %xor3A_1028 = vector.broadcast %xor3A_1027 : i32 to vector<16xi32>
        %xor3A_1029 = arith.xori %iota3A, %xor3A_1028 : vector<16xi32>
        %lt3A_1030 = arith.constant 0 : i32
        %lt3A_1031 = vector.broadcast %lt3A_1030 : i32 to vector<16xi32>
        %lt3A_1032 = arith.cmpi slt, %xor3A_1029, %lt3A_1031 : vector<16xi32>
        %add3A_1033 = arith.constant 16 : i32
        %add3A_1034 = vector.broadcast %add3A_1033 : i32 to vector<16xi32>
        %add3A_1035 = arith.addi %xor3A_1029, %add3A_1034 : vector<16xi32>
        %select_n3A_1036 = arith.select %lt3A_1032, %add3A_1035, %xor3A_1029 : vector<16xi1>, vector<16xi32>
        %broadcast_in_dim3A_1037 = vector.shape_cast %select_n3A_1036 : vector<16xi32> to vector<16x1xi32>
        %gather3A_1038 = vector.shape_cast %broadcast_in_dim3A_1037 : vector<16x1xi32> to vector<16xi32>
        %gather3A_1039 = tpu.dynamic_gather %add3A_809[%gather3A_1038] in [0] : vector<16xf32>, vector<16xi32> -> vector<16xf32>
        %add3A_1040 = arith.addf %add3A_809, %gather3A_1039 : vector<16xf32>
        %xor3A_1041 = arith.constant 8 : i32
        %xor3A_1042 = vector.broadcast %xor3A_1041 : i32 to vector<16xi32>
        %xor3A_1043 = arith.xori %iota3A, %xor3A_1042 : vector<16xi32>
        %lt3A_1044 = arith.constant 0 : i32
        %lt3A_1045 = vector.broadcast %lt3A_1044 : i32 to vector<16xi32>
        %lt3A_1046 = arith.cmpi slt, %xor3A_1043, %lt3A_1045 : vector<16xi32>
        %add3A_1047 = arith.constant 16 : i32
        %add3A_1048 = vector.broadcast %add3A_1047 : i32 to vector<16xi32>
        %add3A_1049 = arith.addi %xor3A_1043, %add3A_1048 : vector<16xi32>
        %select_n3A_1050 = arith.select %lt3A_1046, %add3A_1049, %xor3A_1043 : vector<16xi1>, vector<16xi32>
        %broadcast_in_dim3A_1051 = vector.shape_cast %select_n3A_1050 : vector<16xi32> to vector<16x1xi32>
        %gather3A_1052 = vector.shape_cast %broadcast_in_dim3A_1051 : vector<16x1xi32> to vector<16xi32>
        %gather3A_1053 = tpu.dynamic_gather %add3A_1023[%gather3A_1052] in [0] : vector<16xf32>, vector<16xi32> -> vector<16xf32>
        %add3A_1054 = arith.addf %add3A_1023, %gather3A_1053 : vector<16xf32>
        %select_n3A_1055 = arith.select %lt3A_1026, %add3A_1040, %add3A_1054 : vector<16xi1>, vector<16xf32>
        %xor3A_1056 = arith.constant 4 : i32
        %xor3A_1057 = vector.broadcast %xor3A_1056 : i32 to vector<16xi32>
        %xor3A_1058 = arith.xori %iota3A, %xor3A_1057 : vector<16xi32>
        %lt3A_1059 = arith.constant 0 : i32
        %lt3A_1060 = vector.broadcast %lt3A_1059 : i32 to vector<16xi32>
        %lt3A_1061 = arith.cmpi slt, %xor3A_1058, %lt3A_1060 : vector<16xi32>
        %add3A_1062 = arith.constant 16 : i32
        %add3A_1063 = vector.broadcast %add3A_1062 : i32 to vector<16xi32>
        %add3A_1064 = arith.addi %xor3A_1058, %add3A_1063 : vector<16xi32>
        %select_n3A_1065 = arith.select %lt3A_1061, %add3A_1064, %xor3A_1058 : vector<16xi1>, vector<16xi32>
        %broadcast_in_dim3A_1066 = vector.shape_cast %select_n3A_1065 : vector<16xi32> to vector<16x1xi32>
        %gather3A_1067 = vector.shape_cast %broadcast_in_dim3A_1066 : vector<16x1xi32> to vector<16xi32>
        %gather3A_1068 = tpu.dynamic_gather %select_n3A_1055[%gather3A_1067] in [0] : vector<16xf32>, vector<16xi32> -> vector<16xf32>
        %add3A_1069 = arith.addf %select_n3A_1055, %gather3A_1068 : vector<16xf32>
        %xor3A_1070 = arith.constant 2 : i32
        %xor3A_1071 = vector.broadcast %xor3A_1070 : i32 to vector<16xi32>
        %xor3A_1072 = arith.xori %iota3A, %xor3A_1071 : vector<16xi32>
        %lt3A_1073 = arith.constant 0 : i32
        %lt3A_1074 = vector.broadcast %lt3A_1073 : i32 to vector<16xi32>
        %lt3A_1075 = arith.cmpi slt, %xor3A_1072, %lt3A_1074 : vector<16xi32>
        %add3A_1076 = arith.constant 16 : i32
        %add3A_1077 = vector.broadcast %add3A_1076 : i32 to vector<16xi32>
        %add3A_1078 = arith.addi %xor3A_1072, %add3A_1077 : vector<16xi32>
        %select_n3A_1079 = arith.select %lt3A_1075, %add3A_1078, %xor3A_1072 : vector<16xi1>, vector<16xi32>
        %broadcast_in_dim3A_1080 = vector.shape_cast %select_n3A_1079 : vector<16xi32> to vector<16x1xi32>
        %gather3A_1081 = vector.shape_cast %broadcast_in_dim3A_1080 : vector<16x1xi32> to vector<16xi32>
        %gather3A_1082 = tpu.dynamic_gather %add3A_1069[%gather3A_1081] in [0] : vector<16xf32>, vector<16xi32> -> vector<16xf32>
        %add3A_1083 = arith.addf %add3A_1069, %gather3A_1082 : vector<16xf32>
        %xor3A_1084 = arith.constant 1 : i32
        %xor3A_1085 = vector.broadcast %xor3A_1084 : i32 to vector<16xi32>
        %xor3A_1086 = arith.xori %iota3A, %xor3A_1085 : vector<16xi32>
        %lt3A_1087 = arith.constant 0 : i32
        %lt3A_1088 = vector.broadcast %lt3A_1087 : i32 to vector<16xi32>
        %lt3A_1089 = arith.cmpi slt, %xor3A_1086, %lt3A_1088 : vector<16xi32>
        %add3A_1090 = arith.constant 16 : i32
        %add3A_1091 = vector.broadcast %add3A_1090 : i32 to vector<16xi32>
        %add3A_1092 = arith.addi %xor3A_1086, %add3A_1091 : vector<16xi32>
        %select_n3A_1093 = arith.select %lt3A_1089, %add3A_1092, %xor3A_1086 : vector<16xi1>, vector<16xi32>
        %broadcast_in_dim3A_1094 = vector.shape_cast %select_n3A_1093 : vector<16xi32> to vector<16x1xi32>
        %gather3A_1095 = vector.shape_cast %broadcast_in_dim3A_1094 : vector<16x1xi32> to vector<16xi32>
        %gather3A_1096 = tpu.dynamic_gather %add3A_1083[%gather3A_1095] in [0] : vector<16xf32>, vector<16xi32> -> vector<16xf32>
        %add3A_1097 = arith.addf %add3A_1083, %gather3A_1096 : vector<16xf32>
        %and3A_1098 = arith.constant 7 : i32
        %and3A_1099 = vector.broadcast %and3A_1098 : i32 to vector<16xi32>
        %and3A_1100 = arith.andi %iota3A, %and3A_1099 : vector<16xi32>
        %eq3A_1101 = vector.broadcast %scan3A_597 : i32 to vector<16xi32>
        %eq3A_1102 = arith.cmpi eq, %and3A_1100, %eq3A_1101 : vector<16xi32>
        %select_n3A_1103 = arith.select %eq3A_1102, %add3A_1097, %select_n3A_595 : vector<16xi1>, vector<16xf32>
        scf.yield %select_n3A_1103 : vector<16xf32>
      }
      %scan3A_80 = arith.constant 8 : i32
      %get3A = arith.index_cast %rem3A_65 : i32 to index
      %get3A_81 = arith.index_cast %mul3A_73 : i32 to index
      %get3A_82 = tpu.vector_load %arg14[%get3A, %get3A_81] {strides = array<i32>} : memref<2x128xf32, #tpu.memory_space<vmem>>, vector<1x16xf32>,
      %get3A_83 = vector.shape_cast %get3A_82 : vector<1x16xf32> to vector<16xf32>
      %add3A_84 = arith.addf %scan3A_79, %get3A_83 : vector<16xf32>
      %mul3A_85 = arith.constant 16 : i32
      %mul3A_86 = arith.muli %scan3A_46, %mul3A_85 : i32
      %swap3A = arith.index_cast %mul3A_86 : i32 to index
      %swap3A_87 = tpu.vector_load %arg15[%swap3A] {strides = array<i32>} : memref<512xf32, #tpu.memory_space<vmem>>, vector<16xf32>,
      %swap3A_88 = vector.shape_cast %swap3A_87 : vector<16xf32> to vector<16xf32>
      %swap3A_89 = vector.shape_cast %add3A_84 : vector<16xf32> to vector<16xf32>
      tpu.vector_store %arg15[%swap3A], %swap3A_89 {strides = array<i32>} : memref<512xf32, #tpu.memory_space<vmem>>, vector<16xf32>,
      %scan3A_90 = arith.constant 0 : i32
      scf.yield %scan3A_90 : i32
    }
    %scan3A_45 = arith.constant 32 : i32
    "tpu.region"() ({
      %run_scoped3A = tpu.sem_alloc : memref<!tpu.dma_semaphore, #tpu.memory_space<semaphore_mem>>
      %dma_start3A_46 = tpu.memref_slice %arg9[%mul3A_2] : memref<16384xf32, #tpu.memory_space<hbm>> -> memref<512xf32, #tpu.memory_space<hbm>>
      %dma_start3A_47 = tpu.memref_slice %arg9[%mul3A_2] : memref<16384xf32, #tpu.memory_space<hbm>> -> memref<512xf32, #tpu.memory_space<hbm>>
      tpu.enqueue_dma source(%arg15 : memref<512xf32, #tpu.memory_space<vmem>>) target(%dma_start3A_47 : memref<512xf32, #tpu.memory_space<hbm>>) target_semaphore(%run_scoped3A : memref<!tpu.dma_semaphore, #tpu.memory_space<semaphore_mem>>)
      %dma_wait3A = tpu.memref_slice %arg9[%mul3A_2] : memref<16384xf32, #tpu.memory_space<hbm>> -> memref<512xf32, #tpu.memory_space<hbm>>
      %dma_wait3A_48 = tpu.memref_slice %arg9[%mul3A_2] : memref<16384xf32, #tpu.memory_space<hbm>> -> memref<512xf32, #tpu.memory_space<hbm>>
      tpu.wait_dma2 semaphore(%run_scoped3A : memref<!tpu.dma_semaphore, #tpu.memory_space<semaphore_mem>>) src(%arg15 : memref<512xf32, #tpu.memory_space<vmem>>) dst(%dma_wait3A_48 : memref<512xf32, #tpu.memory_space<hbm>>)
      tpu.yield
    }) : () -> ()
    return
  }
}

</mosaic_0001>

<sc_bundles>
// kernel: kernel.3.cloned.1.call-start
scs
__scs_entry_jumppad:
0x0: {  	(pc) =	sbr.rel $0x88, $3  }
0x1: {  	(tag) =	ssettag $0x0;
	lr =	simm.s32 $0x1  }
0x2: {  	[smem:$0x3F9A] =	sst lr;
	_ =	strace $0xD0000000  }
0x3: {  	_ = 	snop  }
0x4: {  	_ = 	snop  }
0x5: {  	_ = 	snop  }
0x6: {  	_ = 	snop  }
0x7: {  	_ = 	snop  }
__scs_overlays_trampoline_lowered:
0x8: {  	[smem:$0x3FA9] =	sst s0  }
0x9: {  	[smem:$0x3FAA] =	sst s1  }
0xa: {  	[smem:$0x3FAB] =	sst s2  }
0xb: {  	[smem:$0x3FAC] =	sst s3  }
0xc: {  	[smem:$0x3FAD] =	sst s4  }
0xd: {  	[smem:$0x3FAE] =	sst s5  }
0xe: {  	[smem:$0x3FAF] =	sst s6  }
0xf: {  	[smem:$0x3FB0] =	sst s7  }
0x10: {  	[smem:$0x3FB1] =	sst s8  }
0x11: {  	[smem:$0x3FB2] =	sst s9;
	s0 =	simm.s32 @!p0 $0x0  }
0x12: {  	s1 =	sld [smem:$0x3F98];
	s0 =	simm.s32 @p0 $0x1  }
0x13: {  	[smem:$0x3FB3] =	sst s0;
	s0 =	simm.s32 @!p1 $0x0  }
0x14: {  	s2 =	sld [smem:$0x3F97];
	s0 =	simm.s32 @p1 $0x1  }
0x15: {  	[smem:$0x3FB4] =	sst s0;
	s0 =	simm.s32 @!p2 $0x0  }
0x16: {  	s3 =	sld [smem:$0x3FDB];
	s0 =	simm.s32 @p2 $0x1  }
0x17: {  	s4 =	simm.s32 $0x1BF5;
	[smem:$0x3FB6] =	sst s0  }
0x18: {  	s0 =	sld [smem:$0x3F99];
	_ =	swait.ge [sflag:s4], $0x0  }
0x19: {  	s7 =	sld [smem:$0x3F9A]  }
0x1a: {  	s8 =	sadd.s32 $0xFFFFE003, lr  }
0x1b: {  	s9 =	sadd.s32 $0xFFFFFEF7, lr;
	s5 =	simm.s32 $0xFFFFFFFF;
	p2 =	slt.u32 s8, $0xFFFFF086  }
0x1c: {  	p1 =	slt.u32 s9, $0xF7A;
	s5 =	simm.s32 @!p2 $0x0  }
0x1d: {  	s5 =	simm.s32 @p1 $0x1;
	p0 =	seq.s32 s7, s2  }
0x1e: {  	s7 =	smul.u32 @!p0 $0xF7A, s2;
	p2 =	seq.s32 @!p0 s5, $0x0  }
0x1f: {  	s9 =	smul.u32 $0xF7A, s1;
	s8 =	simm.s32 @!p0 $0x1BF5;
	p2 =	por !p2, p0  }
0x20: {  	[sflag:s8] =	ssyncset.s32 @!p0 $0xFFFFF086;
	s6 =	sadd.s32 @!p0 s3, s7;
	s7 =	simm.s32 @!p0 $0x108  }
0x21: {  	s3 =	sadd.s32 s3, s9;
	s6 =	sadd.s32 @!p0 $0x88, s6;
	s7 =	simm.s32 @p2 $0x1082  }
0x22: {  	[simem:s7], [sflag:s8] =	dma.local @!p0 [hbm:s6], $0xF7A  }
0x23: {  	s9 =	sor.u32 $0xD0000000, s2;
	s6 =	simm.s32 $0x108;
	_ =	swait.ge @!p0 [sflag:s8], $0x0  }
0x24: {  	s3 =	sadd.s32 $0x88, s3;
	s6 =	simm.s32 @!p1 $0x1082;
	[sflag:s4] =	ssyncset.s32 $0xFFFFF086  }
0x25: {  	[simem:s6], [sflag:s4] =	dma.local [hbm:s3], $0xF7A  }
0x26: {  	[smem:$0x3F9A] =	sst s1;
	(tag) =	ssettag s2;
	_ =	strace s9  }
0x27: {  	s1 =	sld [smem:$0x3FAA]  }
0x28: {  	s2 =	sld [smem:$0x3FAB]  }
0x29: {  	s4 =	sld [smem:$0x3FAD]  }
0x2a: {  	p0 =	seq.s32 s5, $0x0;
	s5 =	sld [smem:$0x3FAE]  }
0x2b: {  	s6 =	sld [smem:$0x3FAF]  }
0x2c: {  	s7 =	sld [smem:$0x3FB0]  }
0x2d: {  	s3 =	simm.s32 $0x108;
	s8 =	sld [smem:$0x3FB1]  }
0x2e: {  	s3 =	simm.s32 @!p0 $0x1082;
	s9 =	sld [smem:$0x3FB2]  }
0x2f: {  	lr =	sadd.s32 s0, s3;
	s0 =	sld [smem:$0x3FA9]  }
0x30: {  	s3 =	sld [smem:$0x3FAC]  }
0x31: {  	[smem:$0x3FB5] =	sst s10  }
0x32: {  	s10 =	sld [smem:$0x3FB3];
	_ =	sdelay $0x3  }
0x33: {  	p0 =	seq.s32 s10, $0x1;
	s10 =	sld [smem:$0x3FB5];
	_ =	sdelay $0x3  }
0x34: {  	[smem:$0x3FB5] =	sst s10  }
0x35: {  	s10 =	sld [smem:$0x3FB4];
	_ =	sdelay $0x3  }
0x36: {  	p1 =	seq.s32 s10, $0x1;
	s10 =	sld [smem:$0x3FB5];
	_ =	sdelay $0x3  }
0x37: {  	[smem:$0x3FB5] =	sst s10  }
0x38: {  	s10 =	sld [smem:$0x3FB6]  }
0x39: {  	_ = 	snop;
	(pc) =	sbr.ind lr, $3  }
0x3a: {  	_ = 	snop  }
0x3b: {  	_ = 	snop  }
0x3c: {  	p2 =	seq.s32 s10, $0x1;
	s10 =	sld [smem:$0x3FB5]  }
0x3d: {  	_ =	shalt  }
0x3e: {  	_ =	shalt  }
0x3f: {  	_ =	shalt  }
0x40: {  	_ =	shalt  }
0x41: {  	_ =	shalt  }
0x42: {  	_ =	shalt  }
0x43: {  	_ =	shalt  }
0x44: {  	_ =	shalt  }
0x45: {  	_ =	shalt  }
0x46: {  	_ =	shalt  }
0x47: {  	_ =	shalt  }
0x48: {  	_ =	shalt  }
0x49: {  	_ =	shalt  }
0x4a: {  	_ =	shalt  }
0x4b: {  	_ =	shalt  }
0x4c: {  	_ =	shalt  }
0x4d: {  	_ =	shalt  }
0x4e: {  	_ =	shalt  }
0x4f: {  	_ =	shalt  }
0x50: {  	_ =	shalt  }
0x51: {  	_ =	shalt  }
0x52: {  	_ =	shalt  }
0x53: {  	_ =	shalt  }
0x54: {  	_ =	shalt  }
0x55: {  	_ =	shalt  }
0x56: {  	_ =	shalt  }
0x57: {  	_ =	shalt  }
0x58: {  	_ =	shalt  }
0x59: {  	_ =	shalt  }
0x5a: {  	_ =	shalt  }
0x5b: {  	_ =	shalt  }
0x5c: {  	_ =	shalt  }
0x5d: {  	_ =	shalt  }
0x5e: {  	_ =	shalt  }
0x5f: {  	_ =	shalt  }
0x60: {  	_ =	shalt  }
0x61: {  	_ =	shalt  }
0x62: {  	_ =	shalt  }
0x63: {  	_ =	shalt  }
0x64: {  	_ =	shalt  }
0x65: {  	_ =	shalt  }
0x66: {  	_ =	shalt  }
0x67: {  	_ =	shalt  }
0x68: {  	_ =	shalt  }
0x69: {  	_ =	shalt  }
0x6a: {  	_ =	shalt  }
0x6b: {  	_ =	shalt  }
0x6c: {  	_ =	shalt  }
0x6d: {  	_ =	shalt  }
0x6e: {  	_ =	shalt  }
0x6f: {  	_ =	shalt  }
0x70: {  	_ =	shalt  }
0x71: {  	_ =	shalt  }
0x72: {  	_ =	shalt  }
0x73: {  	_ =	shalt  }
0x74: {  	_ =	shalt  }
0x75: {  	_ =	shalt  }
0x76: {  	_ =	shalt  }
0x77: {  	_ =	shalt  }
0x78: {  	_ =	shalt  }
0x79: {  	_ =	shalt  }
0x7a: {  	_ =	shalt  }
0x7b: {  	_ =	shalt  }
0x7c: {  	_ =	shalt  }
0x7d: {  	_ =	shalt  }
0x7e: {  	_ =	shalt  }
0x7f: {  	_ =	shalt  }
0x80: {  	_ =	shalt  }
0x81: {  	_ =	shalt  }
0x82: {  	_ =	shalt  }
0x83: {  	_ =	shalt  }
0x84: {  	_ =	shalt  }
0x85: {  	_ =	shalt  }
0x86: {  	_ =	shalt  }
0x87: {  	_ =	shalt  }
.Lfunc_end0:
.L_simem_size_0:
called_computation_lowered:
.L_overlay_start_0:
0x88: {  	s2 =	sld [smem:$0x3FD9]  }
0x89: {  	s3 =	sld [smem:$0x3FFE];
	_ =	sdelay $0x1  }
0x8a: {  	s1 =	srdreg.scid  }
0x8b: {  	s0 =	sand.u32 $0x1, s1  }
0x8c: {  	s17 =	sshll.u32 s0, $0xA;
	s2 =	sadd.s32 s3, s2  }
0x8d: {  	s2 =	sadd.s32 s2, s17  }
0x8e: {  	[smem:$0x3FC1] =	sst s2  }
0x8f: {  	_ = 	snop  }
0x90: {  	s2 =	sld [smem:$0x3FC9]  }
0x91: {  	s18 =	sld [smem:$0x3FC8]  }
0x92: {  	s4 =	sld [smem:$0x3FC7]  }
0x93: {  	s5 =	sld [smem:$0x3FC6]  }
0x94: {  	s6 =	sld [smem:$0x3FC5]  }
0x95: {  	s7 =	sld [smem:$0x3FC4]  }
0x96: {  	s8 =	sld [smem:$0x3FD0];
	(tm) =	ssettm $0x1  }
0x97: {  	s9 =	sld [smem:$0x3FFB];
	_ =	sdelay $0x3  }
0x98: {  	_ =	strace s9  }
0x99: {  	s9 =	sld [smem:$0x3FFC];
	_ =	sdelay $0x3  }
0x9a: {  	_ =	strace s9  }
0x9b: {  	s9 =	sld [smem:$0x3FFD];
	_ =	sdelay $0x3  }
0x9c: {  	_ =	strace s9  }
0x9d: {  	_ =	strace $0x8FFFFFFF  }
0x9e: {  	s19 =	sld [smem:$0x3FDB];
	_ =	sdelay $0x1  }
0x9f: {  	s10 =	simm.s32 $_scs_section_size  }
0xa0: {  	s11 =	simm.s32 $_size__tile_overlayer_lowered;
	s12 =	simm.s32 $_tile_overlayer_lowered  }
0xa1: {  	s22 =	simm.s32 $0x1BFF;
	s21 =	sshll.u32 s12, $0x1;
	s9 =	sadd.s32 s10, s19  }
0xa2: {  	s13 =	simm.s32 $0x0;
	s20 =	sshll.u32 s11, $0x1;
	s11 =	sadd.s32 s21, s9  }
0xa3: {  	[timem:s13], [sflag:s22] =	dma.local [hbm:s11], s20  }
0xa4: {  	_ =	swait.ge [sflag:s22], s20  }
0xa5: {  	s10 =	ssub.s32 $0x0, s20;
	[sflag:s22] =	ssyncset.done $0x0  }
0xa6: {  	[sflag:s22] =	ssyncadd.s32 s10;
	_ =	sdelay $0x1  }
0xa7: {  	s23 =	simm.s32 $0x1B8B  }
0xa8: {  	_ =	swait.ge [sflag:s23], $0x1  }
0xa9: {  	[sflag:s23] =	ssyncset.done $0x0  }
0xaa: {  	s25 =	simm.s32 $0x1B8E;
	s24 =	sld [smem:$0x3FFE];
	[sflag:s23] =	ssyncadd.s32 $0xFFFFFFFF  }
0xab: {  	s26 =	simm.s32 $execute0_lowered;
	[smem:$0x3FD2] =	sst s25  }
0xac: {  	s11 =	sshll.u32 s26, $0x1;
	_ =	strace $0x80000046;
	[dreg:$0x1] =	wrdreg $0xFFFFFFFF  }
0xad: {  	s28 =	simm.s32 $_size_execute0_lowered;
	s9 =	sadd.s32 s9, s11;
	[dreg:$0x0] =	wrdreg $0x0  }
0xae: {  	s11 =	sshll.u32 s28, $0x1;
	[dreg:$0x2] =	wrdreg s9  }
0xaf: {  	[dreg:$0x3] =	wrdreg s11  }
0xb0: {  	[dreg:$0x4] =	wrdreg $0xC0  }
0xb1: {  	_ =	task [dreg:s13], $0x5FFFF  }
0xb2: {  	[dreg:$0x1] =	wrdreg $0xFFFFFFFF  }
0xb3: {  	[dreg:$0x0] =	wrdreg $0x60  }
0xb4: {  	[dreg:$0x2] =	wrdreg s2  }
0xb5: {  	[dreg:$0x3] =	wrdreg s18  }
0xb6: {  	[dreg:$0x4] =	wrdreg s4  }
0xb7: {  	[dreg:$0x5] =	wrdreg s5  }
0xb8: {  	[dreg:$0x6] =	wrdreg s6  }
0xb9: {  	[dreg:$0x7] =	wrdreg s7  }
0xba: {  	[dreg:$0x8] =	wrdreg s24  }
0xbb: {  	[dreg:$0x9] =	wrdreg s8  }
0xbc: {  	[dreg:$0xa] =	wrdreg $0x9  }
0xbd: {  	_ =	task.clear_ibuf [dreg:s13], $0xBFFFF;
	_ =	strace $0x90000046  }
0xbe: {  	s29 =	simm.s32 $0x9;
	_ =	strace $0x80000048  }
0xbf: {  	_ =	swait.ge [sflag:s29], $0x1  }
0xc0: {  	[sflag:s29] =	ssyncadd.s32 $0xFFFFFFFF  }
0xc1: {  	_ =	strace $0x90000048  }
0xc2: {  	_ =	sfence  }
0xc3: {  	s30 =	sld [smem:$0x0];
	_ =	sdelay $0x2  }
0xc4: {  	s31 =	sshll.u32 s1, $0xD;
	s1 =	sshrl.u32 s1, $0x2  }
0xc5: {  	s3 =	sand.u32 $0x4000, s31;
	s1 =	sadd.s32 s1, s30  }
0xc6: {  	s0 =	sor.u32 s3, s0;
	s1 =	sshll.u32 s1, $0x11  }
0xc7: {  	s0 =	sor.u32 s1, s0  }
0xc8: {  	s0 =	sadd.s32 $0x8F2B, s0  }
0xc9: {  	[sflag:s0] =	ssyncadd.remote.s32 $0x1  }
0xca: {  	_ =	sfence.sel $0xFFFF  }
0xcb: {  	[dreg:$0x0] =	wrdreg $0xFFFFFFFF;
	(pc) =	sbr.abs _section_cstart, $3  }
0xcc: {  	[dreg:$0x1] =	wrdreg $0xFFFFFFFF  }
0xcd: {  	_ =	task.clear_ibuf [dreg:s13], $0x2FFFF;
	_ =	strace $0x9FFFFFFF  }
0xce: {  	(tm) =	ssettm $0x7FFFFFFF  }
0xcf: {  	_ =	shalt  }
tec
execute0_lowered:
.L_overlay_start_1:
0x0: {  	(tag) =	ssettag $0x1  }
0x1: {  	s7 =	rddreg [dreg:$0x0]  }
0x2: {  	s8 =	rddreg [dreg:$0x1]  }
0x3: {  	s9 =	rddreg [dreg:$0x2]  }
0x4: {  	s0 =	rddreg [dreg:$0x3]  }
0x5: {  	v0 =	vimm.s32 $0xFEDCBA98;
	v1 =	vimm.s32 $0x76543210;
	s1 =	rddreg [dreg:$0x4]  }
0x6: {  	s2 =	rddreg [dreg:$0x5];
	v2 =	vimm.s32 $0xBA98FEDC;
	v3 =	vimm.s32 $0x32107654;
	v4 =	vimm.s32 $0xDCFE98BA  }
0x7: {  	s3 =	rddreg [dreg:$0x6];
	v5 =	vimm.s32 $0x54761032;
	v6 =	vimm.s32 $0xEFCDAB89;
	v7 =	vimm.s32 $0x67452301  }
0x8: {  	s10 =	rddreg [dreg:$0x7];
	s4 =	simm.s32 $0x0;
	v0 =	vunpack.c.l.s4.s8 v0;
	v1 =	vunpack.c.l.s4.s8 v1;
	v2 =	vunpack.c.l.s4.s8 v2  }
0x9: {  	s5 =	srdreg.scid;
	s6 =	stileid.u32;
	s15 =	simm.s32 $0x80;
	v3 =	vunpack.c.l.s4.s8 v3;
	v4 =	vunpack.c.l.s4.s8 v4;
	v5 =	vunpack.c.l.s4.s8 v5  }
0xa: {  	s16 =	simm.s32 $0x600;
	s17 =	simm.s32 $0x4600;
	s18 =	simm.s32 $0x8600;
	v6 =	vunpack.c.l.s4.s8 v6;
	v7 =	vunpack.c.l.s4.s8 v7;
	v0 =	vunpack.c.0.s8.s32 v0  }
0xb: {  	s19 =	simm.s32 $0x18600;
	s20 =	simm.s32 $0x18700;
	[smem:$0x7FF] =	sst s4;
	v1 =	vunpack.c.0.s8.s32 v1;
	v2 =	vunpack.c.0.s8.s32 v2;
	v3 =	vunpack.c.0.s8.s32 v3  }
0xc: {  	s21 =	simm.s32 $0x0;
	s11 =	sand.u32 $0x1, s5;
	s5 =	rddreg [dreg:$0x8];
	v6 =	vunpack.c.0.s8.s32 v6;
	v7 =	vunpack.c.0.s8.s32 v7;
	v0 =	vand.u32 $0xF, v0  }
0xd: {  	s14 =	sshll.u32 s6, $0x7;
	s12 =	ssub.s32 $0x2, s11;
	s11 =	sshll.u32 s11, $0x6;
	v4 =	vunpack.c.0.s8.s32 v4;
	v5 =	vunpack.c.0.s8.s32 v5;
	v0 =	vcombine.low v0, v1  }
0xe: {  	v63 =	vlaneseq.u32;
	_ =	strace $0x80000047;
	s13 =	sshrl.u32 s12, $0x1;
	s11 =	sor.u32 s11, s14;
	v1 =	vcombine.low v3, v2;
	v3 =	vcombine.low v7, v6  }
0xf: {  	s14 =	simm.s32 $0x400;
	s12 =	ssub.s32 s12, s13;
	s7 =	sadd.s32 s7, s11;
	v2 =	vcombine.low v5, v4;
	v4 =	vand.u32 $0x7, v63  }
0x10: {  	s8 =	sadd.s32 s8, s11;
	s9 =	sadd.s32 s9, s11;
	s10 =	sadd.s32 s10, s11;
	[tilespmem:$0x1FFF0] =	vst v4;
	v3 =	vand.u32 $0xF, v3  }
0x11: {  	vm0 =	vmmov $0xff;
	s13 =	simm.s32 $0x200;
	s11 =	smax.u32 s12, $0x1;
	s12 =	simm.s32 $0x3;
	v1 =	vand.u32 $0xF, v1;
	v2 =	vand.u32 $0xF, v2;
	[tilespmem:$0x1FFE0] =	vst v3  }
.LBB2_1:
0x12: {  	[tilespmem:s4], [sflag:$0x3] =	stream.linear.gather [hbm4b:s7+s4], $0x200, $0x38;
	[tilespmem:$0x18900] =	vst v63  }
0x13: {  	_ =	swait.ge [sflag:s12], $0x200  }
0x14: {  	[sflag:s12] =	ssyncset.done $0x0  }
0x15: {  	[sflag:s12] =	ssyncadd.s32 $0xFFFFFE00  }
0x16: {  	[tilespmem:s13], [sflag:$0x3] =	stream.linear.gather [hbm4b:s8+s4], $0x200, $0x38;
	[tilespmem:$0x18900] =	vst v63  }
0x17: {  	_ =	swait.ge [sflag:s12], $0x200  }
0x18: {  	[sflag:s12] =	ssyncset.done $0x0  }
0x19: {  	[sflag:s12] =	ssyncadd.s32 $0xFFFFFE00  }
0x1a: {  	[tilespmem:s14], [sflag:$0x3] =	stream.linear.gather [hbm4b:s9+s4], $0x200, $0x38;
	[tilespmem:$0x18900] =	vst v63  }
0x1b: {  	_ =	swait.ge [sflag:s12], $0x200  }
0x1c: {  	[sflag:s12] =	ssyncset.done $0x0  }
0x1d: {  	[sflag:s12] =	ssyncadd.s32 $0xFFFFFE00  }
0x1e: {  	[tilespmem:s16], [sflag:$0x1] =	stream.indirect.gather [hbm4b:s0+s15], $0x80, s4, s15, $0xb8;
	[tilespmem:$0x18900] =	vst v63  }
0x1f: {  	_ = 	snop  }
0x20: {  	[tilespmem:s17], [sflag:$0x1] =	stream.indirect.gather [hbm4b:s1+s15], $0x80, s14, s15, $0xb8;
	[tilespmem:$0x18900] =	vst v63  }
0x21: {  	_ = 	snop  }
0x22: {  	[tilespmem:s18], [sflag:$0x1] =	stream.indirect.gather [hbm4b:s2+s15], $0x80, s13, s15, $0xb8;
	[tilespmem:$0x18900] =	vst v63  }
0x23: {  	s22 =	simm.s32 $0x0;
	s23 =	simm.s32 $0x0  }
0x24: {  	[tilespmem:s19], [sflag:$0x1] =	stream.indirect.gather [hbm4b:s3+s15], $0x1, s13, s15, $0xb8;
	[tilespmem:$0x18900] =	vst v63  }
.LBB2_2:
0x25: {  	s26 =	sand.u32 $0x7, s23  }
0x26: {  	p0 =	sne.s32 s26, $0x0  }
.Ltmp0:
0x27: {  	_ = 	snop;
	(pc) =	sbr.rel @p0 .LBB2_4-.Ltmp0, $3  }
0x28: {  	_ =	sdelay $0x1  }
0x29: {  	s25 =	sshrl.u32 s23, $0x3  }
0x2a: {  	v4 =	vmov v2;
	v3 =	vmov v1;
	s24 =	sand.u32 $0x1, s25  }
0x2b: {  	p0 =	sne.s32 s24, $0x0  }
0x2c: {  	s28 =	simm.s32 @p0 $0x2  }
0x2d: {  	_ =	swait.ge @p0 [sflag:s28], $0x4000  }
0x2e: {  	[sflag:s28] =	ssyncset.done @p0 $0x0  }
0x2f: {  	[sflag:s28] =	ssyncadd.s32 @p0 $0xFFFFC000  }
0x30: {  	_ =	swait.ge @p0 [sflag:s28], $0x4000  }
0x31: {  	[sflag:s28] =	ssyncset.done @p0 $0x0  }
0x32: {  	[sflag:s28] =	ssyncadd.s32 @p0 $0xFFFFC000  }
0x33: {  	_ =	swait.ge @p0 [sflag:s28], $0x4000  }
0x34: {  	[sflag:s28] =	ssyncset.done @p0 $0x0  }
0x35: {  	[sflag:s28] =	ssyncadd.s32 @p0 $0xFFFFC000  }
0x36: {  	p1 =	slt.u32 @p0 s23, $0x18;
	_ =	swait.ge @p0 [sflag:s28], $0x80  }
0x37: {  	p1 =	por !p1, !p0;
	[sflag:s28] =	ssyncset.done @p0 $0x0  }
0x38: {  	[sflag:s28] =	ssyncadd.s32 @p0 $0xFFFFFF80;
	s28 =	sshll.u32 @!p1 s25, $0x7  }
0x39: {  	s30 =	simm.s32 @!p1 $0x80;
	s31 =	simm.s32 @!p1 $0x600;
	s29 =	sadd.s32 @!p1 $0x80, s28  }
0x3a: {  	[tilespmem:s31], [sflag:$0x1] =	stream.indirect.gather @!p1 [hbm4b:s0+s30], $0x80, s29, s30, $0xb8;
	[tilespmem:$0x18900] =	vst v63  }
0x3b: {  	s29 =	sadd.s32 @!p1 $0x480, s28;
	s31 =	simm.s32 @!p1 $0x4600  }
0x3c: {  	[tilespmem:s31], [sflag:$0x1] =	stream.indirect.gather @!p1 [hbm4b:s1+s30], $0x80, s29, s30, $0xb8;
	[tilespmem:$0x18900] =	vst v63  }
0x3d: {  	s28 =	sadd.s32 @!p1 $0x280, s28;
	s29 =	simm.s32 @!p1 $0x8600  }
0x3e: {  	[tilespmem:s29], [sflag:$0x1] =	stream.indirect.gather @!p1 [hbm4b:s2+s30], $0x80, s28, s30, $0xb8;
	[tilespmem:$0x18900] =	vst v63  }
0x3f: {  	s29 =	simm.s32 @!p1 $0x18600  }
0x40: {  	[tilespmem:s29], [sflag:$0x1] =	stream.indirect.gather @!p1 [hbm4b:s3+s30], $0x1, s28, s30, $0xb8;
	[tilespmem:$0x18900] =	vst v63  }
0x41: {  	s28 =	simm.s32 @!p0 $0x1  }
0x42: {  	_ =	swait.ge @!p0 [sflag:s28], $0x4000  }
0x43: {  	[sflag:s28] =	ssyncset.done @!p0 $0x0  }
0x44: {  	[sflag:s28] =	ssyncadd.s32 @!p0 $0xFFFFC000  }
0x45: {  	_ =	swait.ge @!p0 [sflag:s28], $0x4000  }
0x46: {  	[sflag:s28] =	ssyncset.done @!p0 $0x0  }
0x47: {  	[sflag:s28] =	ssyncadd.s32 @!p0 $0xFFFFC000  }
0x48: {  	_ =	swait.ge @!p0 [sflag:s28], $0x4000  }
0x49: {  	[sflag:s28] =	ssyncset.done @!p0 $0x0  }
0x4a: {  	p1 =	slt.u32 @!p0 s23, $0x18;
	[sflag:s28] =	ssyncadd.s32 @!p0 $0xFFFFC000  }
0x4b: {  	p1 =	por !p1, p0;
	_ =	swait.ge @!p0 [sflag:s28], $0x80  }
0x4c: {  	s25 =	sshll.u32 @!p1 s25, $0x7;
	s29 =	simm.s32 @!p1 $0x80;
	[sflag:s28] =	ssyncset.done @!p0 $0x0  }
0x4d: {  	s30 =	simm.s32 @!p1 $0xC600;
	[sflag:s28] =	ssyncadd.s32 @!p0 $0xFFFFFF80;
	s28 =	sor.u32 @!p1 $0x80, s25  }
0x4e: {  	[tilespmem:s30], [sflag:$0x2] =	stream.indirect.gather @!p1 [hbm4b:s0+s29], $0x80, s28, s29, $0xb8;
	[tilespmem:$0x18900] =	vst v63  }
0x4f: {  	s28 =	sadd.s32 @!p1 $0x480, s25;
	s30 =	simm.s32 @!p1 $0x10600  }
0x50: {  	[tilespmem:s30], [sflag:$0x2] =	stream.indirect.gather @!p1 [hbm4b:s1+s29], $0x80, s28, s29, $0xb8;
	[tilespmem:$0x18900] =	vst v63  }
0x51: {  	s25 =	sadd.s32 @!p1 $0x280, s25;
	s28 =	simm.s32 @!p1 $0x14600  }
0x52: {  	[tilespmem:s28], [sflag:$0x2] =	stream.indirect.gather @!p1 [hbm4b:s2+s29], $0x80, s25, s29, $0xb8;
	[tilespmem:$0x18900] =	vst v63  }
0x53: {  	s28 =	simm.s32 @!p1 $0x18680  }
0x54: {  	[tilespmem:s28], [sflag:$0x2] =	stream.indirect.gather @!p1 [hbm4b:s3+s29], $0x1, s25, s29, $0xb8;
	[tilespmem:$0x18900] =	vst v63  }
.LBB2_4:
0x55: {  	s25 =	smul.u32 $0x30000, s24;
	s28 =	sand.u32 $0x7, s22  }
0x56: {  	s28 =	sshll.u32 s28, $0xD  }
0x57: {  	s25 =	sor.u32 s28, s25  }
0x58: {  	s25 =	sshrl.u32 s25, $0x2  }
0x59: {  	s25 =	sadd.s32 $0x8AF0, s25  }
0x5a: {  	v5 =	vld [tilespmem:s25+$0xFFFF7BF0]  }
0x5b: {  	v10 =	vld [tilespmem:s25+$0xFFFFBBF0]  }
0x5c: {  	v11 =	vld [tilespmem:s25+$0xFFFFFBF0]  }
0x5d: {  	v12 =	vld [tilespmem:s25+$0xFFFF7C00]  }
0x5e: {  	v13 =	vld [tilespmem:s25+$0xFFFFBC00]  }
0x5f: {  	v14 =	vld [tilespmem:s25+$0xFFFFFC00]  }
0x60: {  	v15 =	vld [tilespmem:s25+$0xFFFF7FF0]  }
0x61: {  	v22 =	vld [tilespmem:s25+$0xFFFFBFF0]  }
0x62: {  	v23 =	vld [tilespmem:s25+$0xFFFFFFF0]  }
0x63: {  	v24 =	vld [tilespmem:s25+$0xFFFF8000]  }
0x64: {  	v25 =	vld [tilespmem:s25+$0xFFFFC000]  }
0x65: {  	v26 =	vld [tilespmem:s25+$0x0]  }
0x66: {  	v7 =	vld [tilespmem:s25+$0xFFFF7B70]  }
0x67: {  	v9 =	vld [tilespmem:s25+$0xFFFFBB70]  }
0x68: {  	v8 =	vld [tilespmem:s25+$0xFFFFFB70]  }
0x69: {  	v6 =	vld [tilespmem:s25+$0xFFFF7B80]  }
0x6a: {  	v27 =	vld [tilespmem:s25+$0xFFFF7BD0]  }
0x6b: {  	v28 =	vld [tilespmem:s25+$0xFFFFBBD0]  }
0x6c: {  	v29 =	vld [tilespmem:s25+$0xFFFFFBD0]  }
0x6d: {  	v30 =	vld [tilespmem:s25+$0xFFFF7BE0]  }
0x6e: {  	v31 =	vld [tilespmem:s25+$0xFFFFBBE0]  }
0x6f: {  	v32 =	vld [tilespmem:s25+$0xFFFFFBE0]  }
0x70: {  	v33 =	vld [tilespmem:s25+$0xFFFF7FD0]  }
0x71: {  	v34 =	vld [tilespmem:s25+$0xFFFFBFD0]  }
0x72: {  	v35 =	vld [tilespmem:s25+$0xFFFFFFD0]  }
0x73: {  	v36 =	vld [tilespmem:s25+$0xFFFF7FE0]  }
0x74: {  	v37 =	vld [tilespmem:s25+$0xFFFFBFE0]  }
0x75: {  	v38 =	vld [tilespmem:s25+$0xFFFFFFE0]  }
0x76: {  	v19 =	vld [tilespmem:s25+$0xFFFF7B50]  }
0x77: {  	v21 =	vld [tilespmem:s25+$0xFFFFBB50]  }
0x78: {  	v20 =	vld [tilespmem:s25+$0xFFFFFB50]  }
0x79: {  	v18 =	vld [tilespmem:s25+$0xFFFF7B60]  }
0x7a: {  	v39 =	vld [tilespmem:s25+$0xFFFF7BB0]  }
0x7b: {  	v40 =	vld [tilespmem:s25+$0xFFFFBBB0]  }
0x7c: {  	v41 =	vld [tilespmem:s25+$0xFFFFFBB0]  }
0x7d: {  	v42 =	vld [tilespmem:s25+$0xFFFF7BC0]  }
0x7e: {  	v43 =	vld [tilespmem:s25+$0xFFFFBBC0]  }
0x7f: {  	v44 =	vld [tilespmem:s25+$0xFFFFFBC0]  }
0x80: {  	v45 =	vld [tilespmem:s25+$0xFFFF7FB0]  }
0x81: {  	v46 =	vld [tilespmem:s25+$0xFFFFBFB0]  }
0x82: {  	v47 =	vld [tilespmem:s25+$0xFFFFFFB0]  }
0x83: {  	v48 =	vld [tilespmem:s25+$0xFFFF7FC0]  }
0x84: {  	v49 =	vld [tilespmem:s25+$0xFFFFBFC0]  }
0x85: {  	v50 =	vld [tilespmem:s25+$0xFFFFFFC0]  }
0x86: {  	v51 =	vld [tilespmem:s25+$0xFFFF7B30]  }
0x87: {  	v52 =	vld [tilespmem:s25+$0xFFFFBB30]  }
0x88: {  	v53 =	vld [tilespmem:s25+$0xFFFFFB30]  }
0x89: {  	v54 =	vld [tilespmem:s25+$0xFFFF7B40]  }
0x8a: {  	v55 =	vld [tilespmem:s25+$0xFFFF7B90]  }
0x8b: {  	v56 =	vld [tilespmem:s25+$0xFFFFBB90]  }
0x8c: {  	v57 =	vld [tilespmem:s25+$0xFFFFFB90]  }
0x8d: {  	v58 =	vld [tilespmem:s25+$0xFFFF7BA0]  }
0x8e: {  	v59 =	vld [tilespmem:s25+$0xFFFFBBA0]  }
0x8f: {  	v60 =	vld [tilespmem:s25+$0xFFFFFBA0]  }
0x90: {  	v61 =	vld [tilespmem:s25+$0xFFFFBF90]  }
0x91: {  	v62 =	vld [tilespmem:s25+$0xFFFFFF90]  }
0x92: {  	v16 =	vmul.f32 v10, v5;
	v17 =	vmul.f32 v11, v5;
	v5 =	vld [tilespmem:s25+$0xFFFF7F90]  }
0x93: {  	v11 =	vmul.f32 v14, v12;
	v14 =	vmul.f32 v22, v15;
	v22 =	vld [tilespmem:s25+$0xFFFF7FA0]  }
0x94: {  	v10 =	vmul.f32 v13, v12;
	v12 =	vmul.f32 v25, v24;
	v25 =	vld [tilespmem:s25+$0xFFFFBFA0]  }
0x95: {  	v15 =	vmul.f32 v23, v15;
	v23 =	vmul.f32 v28, v27;
	v28 =	vld [tilespmem:s25+$0xFFFFFFA0]  }
0x96: {  	v13 =	vmul.f32 v26, v24;
	v24 =	vmul.f32 v29, v27;
	v29 =	vld [tilespmem:s25+$0xFFFF7B10]  }
0x97: {  	v26 =	vmul.f32 v31, v30;
	v27 =	vmul.f32 v32, v30;
	v30 =	vld [tilespmem:s25+$0xFFFFBB10]  }
0x98: {  	v63 =	vmul.f32 v34, v33;
	v1 =	vmul.f32 v35, v33;
	v31 =	vld [tilespmem:s25+$0xFFFFFB10]  }
0x99: {  	v2 =	vmul.f32 v38, v36;
	v32 =	vmul.f32 v40, v39;
	v34 =	vld [tilespmem:s25+$0xFFFF7B20]  }
0x9a: {  	v33 =	vmul.f32 v41, v39;
	v35 =	vmul.f32 v43, v42;
	v40 =	vld [tilespmem:s25+$0xFFFFFB20]  }
0x9b: {  	v38 =	vmul.f32 v46, v45;
	v39 =	vmul.f32 v47, v45;
	v43 =	vld [tilespmem:s25+$0xFFFF7F10]  }
0x9c: {  	v41 =	vmul.f32 v49, v48;
	v45 =	vmul.f32 v57, v55;
	v46 =	vld [tilespmem:s25+$0xFFFFBF10]  }
0x9d: {  	v47 =	vmul.f32 v59, v58;
	v49 =	vld [tilespmem:s25+$0xFFFFFF10];
	[tilespmem:$0x1FFD0] =	vst v1;
	v1 =	vmul.f32 v37, v36  }
0x9e: {  	v57 =	vld [tilespmem:s25+$0xFFFFFB40];
	v36 =	vmul.f32 v44, v42;
	v44 =	vmul.f32 v56, v55  }
0x9f: {  	v37 =	vld [tilespmem:s25+$0xFFFFBB20];
	v42 =	vmul.f32 v50, v48;
	v48 =	vmul.f32 v60, v58;
	v45 =	vadd.f32 $0.0e+00, v45  }
0xa0: {  	v52 =	vmul.f32 v52, v51;
	v60 =	vld [tilespmem:s25+$0xFFFF7F20];
	v47 =	vadd.f32 $0.0e+00, v47;
	v44 =	vadd.f32 $0.0e+00, v44  }
0xa1: {  	v58 =	vld [tilespmem:s25+$0xFFFFBF30];
	v48 =	vadd.f32 $0.0e+00, v48;
	v50 =	vmul.f32 v61, v5;
	v62 =	vmul.f32 v62, v5  }
0xa2: {  	v56 =	vld [tilespmem:s25+$0xFFFF7F40];
	v45 =	vadd.f32 v33, v45;
	v25 =	vmul.f32 v25, v22;
	v22 =	vmul.f32 v28, v22  }
0xa3: {  	v47 =	vadd.f32 v35, v47;
	v28 =	vmul.f32 v30, v29;
	v29 =	vmul.f32 v31, v29;
	v30 =	vld [tilespmem:s25+$0xFFFFBF20]  }
0xa4: {  	v61 =	vld [tilespmem:s25+$0xFFFFFF20];
	v46 =	vmul.f32 v46, v43;
	v44 =	vadd.f32 v32, v44;
	v36 =	vadd.f32 v36, v48  }
0xa5: {  	v43 =	vmul.f32 v49, v43;
	v49 =	vld [tilespmem:s25+$0xFFFF7F30];
	v50 =	vadd.f32 $0.0e+00, v50;
	v55 =	vadd.f32 $0.0e+00, v62  }
0xa6: {  	v48 =	vld [tilespmem:s25+$0xFFFFFB60];
	v31 =	vmul.f32 v37, v34;
	v25 =	vadd.f32 $0.0e+00, v25;
	v22 =	vadd.f32 $0.0e+00, v22  }
0xa7: {  	v34 =	vmul.f32 v40, v34;
	v40 =	vld [tilespmem:s25+$0xFFFFBB40];
	v28 =	vadd.f32 $0.0e+00, v28;
	v29 =	vadd.f32 $0.0e+00, v29  }
0xa8: {  	v33 =	vmul.f32 v57, v54;
	v37 =	vld [tilespmem:s25+$0xFFFFFF30];
	v46 =	vadd.f32 $0.0e+00, v46;
	v43 =	vadd.f32 $0.0e+00, v43  }
0xa9: {  	v59 =	vadd.f32 $0.0e+00, v31;
	v34 =	vadd.f32 $0.0e+00, v34;
	v31 =	vmul.f32 v61, v60;
	v61 =	vld [tilespmem:s25+$0xFFFFBF40]  }
0xaa: {  	v62 =	vld [tilespmem:s25+$0xFFFFFF40];
	v50 =	vadd.f32 v38, v50;
	v55 =	vadd.f32 v39, v55;
	v30 =	vmul.f32 v30, v60  }
0xab: {  	v57 =	vadd.f32 v41, v25;
	v25 =	vld [tilespmem:s25+$0xFFFFBF50];
	v35 =	vmul.f32 v58, v49;
	v58 =	vadd.f32 v42, v22  }
0xac: {  	v51 =	vmul.f32 v53, v51;
	v41 =	vld [tilespmem:s25+$0xFFFFFF60];
	v33 =	vadd.f32 v33, v34;
	v53 =	vadd.f32 $0.0e+00, v30  }
0xad: {  	v60 =	vadd.f32 $0.0e+00, v31;
	v40 =	vmul.f32 v40, v54;
	v54 =	vld [tilespmem:s25+$0xFFFFBB60];
	v37 =	vmul.f32 v37, v49  }
0xae: {  	v49 =	vld [tilespmem:s25+$0xFFFF7F50];
	v30 =	vadd.f32 v52, v28;
	v31 =	vadd.f32 v51, v29;
	v22 =	vmul.f32 v61, v56  }
0xaf: {  	v28 =	vmul.f32 v62, v56;
	v62 =	vld [tilespmem:s25+$0xFFFFFF50];
	v34 =	vadd.f32 v35, v46;
	v29 =	vadd.f32 v24, v45  }
0xb0: {  	v32 =	vadd.f32 v40, v59;
	v40 =	vmul.f32 v20, v19;
	v20 =	vadd.f32 v22, v53;
	v22 =	vld [tilespmem:$0x1FFD0]  }
0xb1: {  	v5 =	vimm.f32 $0.0e+00;
	v38 =	vld [tilespmem:s25+$0xFFFFBB80];
	v24 =	vadd.f32 v63, v50;
	v35 =	vadd.f32 v37, v43  }
0xb2: {  	v39 =	vmul.f32 v21, v19;
	v37 =	vld [tilespmem:s25+$0xFFFF7F60];
	v21 =	vadd.f32 v28, v60;
	v28 =	vadd.f32 v23, v44  }
0xb3: {  	v43 =	vld [tilespmem:s25+$0xFFFFBF60];
	v44 =	vmul.f32 v48, v18;
	v19 =	vadd.f32 v27, v36;
	v23 =	vadd.f32 v2, v58  }
0xb4: {  	v36 =	vld [tilespmem:s25+$0xFFFFFB80];
	v42 =	vmul.f32 v54, v18;
	v18 =	vadd.f32 v26, v47;
	v45 =	vmul.f32 v25, v49  }
0xb5: {  	s29 =	simm.s32 $0x2;
	s28 =	sshll.u32 s26, $0x4;
	s26 =	simm.s32 $0x0;
	v27 =	vmul.f32 v62, v49;
	v26 =	vld [tilespmem:s25+$0xFFFF7F70];
	v25 =	vadd.f32 v22, v55;
	v22 =	vadd.f32 v1, v57  }
.LBB2_5:
0xb6: {  	_ = 	snop  }
0xb7: {  	v49 =	vld [tilespmem:s25+$0xFFFFBF70]  }
0xb8: {  	v51 =	vld [tilespmem:s25+$0xFFFFFF70]  }
0xb9: {  	v52 =	vld [tilespmem:s25+$0xFFFF7F80]  }
0xba: {  	v54 =	vld [tilespmem:s25+$0xFFFFFF80];
	v48 =	vmul.f32 v43, v37;
	v50 =	vmul.f32 v41, v37  }
0xbb: {  	v1 =	vld [tilespmem:$0x1FFE0];
	v9 =	vmul.f32 v9, v7  }
0xbc: {  	v7 =	vmul.f32 v8, v7;
	v8 =	vadd.f32 v48, v20;
	v20 =	vadd.f32 v50, v21;
	v21 =	vld [tilespmem:s25+$0xFFFFBF80];
	s25 =	sadd.s32 $0x100, s25  }
0xbd: {  	v16 =	vadd.f32 v16, v28;
	v28 =	vadd.f32 v17, v29;
	v17 =	vld [tilespmem:s25+$0xFFFF7BF0]  }
0xbe: {  	v18 =	vadd.f32 v10, v18;
	v10 =	vld [tilespmem:s25+$0xFFFFBBF0]  }
0xbf: {  	v19 =	vadd.f32 v11, v19;
	v56 =	vadd.f32 v15, v25;
	v11 =	vld [tilespmem:s25+$0xFFFFFBF0]  }
0xc0: {  	v29 =	vmul.f32 v49, v26;
	v15 =	vmul.f32 v51, v26;
	v26 =	vadd.f32 v12, v22;
	v12 =	vld [tilespmem:s25+$0xFFFF7C00]  }
0xc1: {  	v27 =	vadd.f32 v27, v35;
	v57 =	vadd.f32 v13, v23;
	v13 =	vld [tilespmem:s25+$0xFFFFBC00]  }
0xc2: {  	v55 =	vadd.f32 v14, v24;
	v14 =	vld [tilespmem:s25+$0xFFFFFC00]  }
0xc3: {  	v30 =	vadd.f32 v39, v30;
	v27 =	vadd.f32 v15, v27;
	v15 =	vld [tilespmem:s25+$0xFFFF7FF0]  }
0xc4: {  	v31 =	vadd.f32 v40, v31;
	v23 =	vld [tilespmem:s25+$0xFFFFFFF0]  }
0xc5: {  	v32 =	vadd.f32 v42, v32;
	v53 =	vmul.f32 v38, v6;
	v9 =	vadd.f32 v9, v30;
	v30 =	vld [tilespmem:s25+$0xFFFF7BE0]  }
0xc6: {  	v33 =	vadd.f32 v44, v33;
	v6 =	vmul.f32 v36, v6;
	v7 =	vadd.f32 v7, v31;
	v31 =	vld [tilespmem:s25+$0xFFFFBBE0]  }
0xc7: {  	v34 =	vadd.f32 v45, v34;
	v24 =	vadd.f32 v53, v32;
	v32 =	vld [tilespmem:s25+$0xFFFFFBE0]  }
0xc8: {  	v6 =	vadd.f32 v6, v33;
	v33 =	vld [tilespmem:s25+$0xFFFF7FD0]  }
0xc9: {  	v25 =	vadd.f32 v29, v34;
	v34 =	vld [tilespmem:s25+$0xFFFFBFD0]  }
0xca: {  	v35 =	vld [tilespmem:s25+$0xFFFFFFD0]  }
0xcb: {  	v36 =	vld [tilespmem:s25+$0xFFFF7FE0]  }
0xcc: {  	v37 =	vld [tilespmem:s25+$0xFFFFBFE0]  }
0xcd: {  	v38 =	vld [tilespmem:s25+$0xFFFFFFE0]  }
0xce: {  	v39 =	vld [tilespmem:s25+$0xFFFF7BB0]  }
0xcf: {  	v40 =	vld [tilespmem:s25+$0xFFFFBBB0]  }
0xd0: {  	v41 =	vld [tilespmem:s25+$0xFFFFFBB0]  }
0xd1: {  	v42 =	vld [tilespmem:s25+$0xFFFF7BC0]  }
0xd2: {  	v43 =	vld [tilespmem:s25+$0xFFFFBBC0]  }
0xd3: {  	v44 =	vld [tilespmem:s25+$0xFFFFFBC0]  }
0xd4: {  	v45 =	vld [tilespmem:s25+$0xFFFF7FB0]  }
0xd5: {  	v46 =	vld [tilespmem:s25+$0xFFFFBFB0]  }
0xd6: {  	v47 =	vld [tilespmem:s25+$0xFFFFFFB0]  }
0xd7: {  	v48 =	vld [tilespmem:s25+$0xFFFF7FC0]  }
0xd8: {  	v49 =	vld [tilespmem:s25+$0xFFFFBFC0]  }
0xd9: {  	v22 =	vmul.f32 v54, v52;
	v50 =	vld [tilespmem:s25+$0xFFFFFFC0]  }
0xda: {  	v16 =	vadd.f32 v28, v16;
	v18 =	vadd.f32 v19, v18;
	v51 =	vld [tilespmem:s25+$0xFFFF7B30];
	v21 =	vmul.f32 v21, v52  }
0xdb: {  	v19 =	vadd.f32 v56, v55;
	v53 =	vld [tilespmem:s25+$0xFFFFFB30];
	v20 =	vadd.f32 v22, v20  }
0xdc: {  	v54 =	vld [tilespmem:s25+$0xFFFF7B40];
	v7 =	vadd.f32 v7, v9;
	v8 =	vadd.f32 v21, v8  }
0xdd: {  	v55 =	vld [tilespmem:s25+$0xFFFF7B90];
	v6 =	vadd.f32 v6, v24;
	v9 =	vadd.f32 v27, v25  }
0xde: {  	v56 =	vld [tilespmem:s25+$0xFFFFBB90];
	v8 =	vadd.f32 v20, v8;
	v20 =	vadd.f32 v57, v26  }
0xdf: {  	v16 =	vadd.f32 v18, v16;
	v60 =	vld [tilespmem:s25+$0xFFFFFBA0];
	v21 =	vadd.f32 v6, v7  }
0xe0: {  	v61 =	vld [tilespmem:s25+$0xFFFF7F90];
	v27 =	vadd.f32 v8, v9;
	v18 =	vadd.f32 v20, v19  }
0xe1: {  	v28 =	vperm.xlane v16, v0;
	v62 =	vld [tilespmem:s25+$0xFFFFBF90];
	v19 =	vperm.xlane v21, v0  }
0xe2: {  	v63 =	vld [tilespmem:s25+$0xFFFFFF90];
	v20 =	vperm.xlane v27, v0;
	v29 =	vperm.xlane v18, v0  }
0xe3: {  	v2 =	vld [tilespmem:s25+$0xFFFFBFA0];
	v16 =	vadd.f32 v28, v16;
	v19 =	vadd.f32 v19, v21  }
0xe4: {  	v22 =	vld [tilespmem:s25+$0xFFFFBFF0];
	v20 =	vadd.f32 v27, v20;
	v18 =	vadd.f32 v18, v29  }
0xe5: {  	v24 =	vld [tilespmem:s25+$0xFFFF8000]  }
0xe6: {  	v25 =	vld [tilespmem:s25+$0xFFFFC000];
	v19 =	vsel vm0, v19, v20;
	v16 =	vsel vm0, v16, v18  }
0xe7: {  	v28 =	vld [tilespmem:s25+$0xFFFFBBD0];
	v20 =	vperm.xlane v19, v3;
	v18 =	vperm.xlane v16, v3  }
0xe8: {  	v52 =	vld [tilespmem:s25+$0xFFFFBB30]  }
0xe9: {  	v7 =	vld [tilespmem:s25+$0xFFFF7B70];
	v19 =	vadd.f32 v19, v20;
	v16 =	vadd.f32 v16, v18  }
0xea: {  	v6 =	vld [tilespmem:s25+$0xFFFF7B80]  }
0xeb: {  	v26 =	vld [tilespmem:s25+$0x0];
	v18 =	vperm.xlane v19, v4;
	v20 =	vperm.xlane v16, v4  }
0xec: {  	v57 =	vld [tilespmem:s25+$0xFFFFFB90]  }
0xed: {  	v9 =	vld [tilespmem:s25+$0xFFFFBB70];
	v19 =	vadd.f32 v19, v18;
	v16 =	vadd.f32 v16, v20  }
0xee: {  	v27 =	vld [tilespmem:s25+$0xFFFF7BD0]  }
0xef: {  	v20 =	vperm.xlane v19, v1;
	v21 =	vperm.xlane v16, v1;
	v1 =	vld [tilespmem:$0x1FFF0]  }
0xf0: {  	v29 =	vld [tilespmem:s25+$0xFFFFFBD0]  }
0xf1: {  	v8 =	vld [tilespmem:s25+$0xFFFFFB70]  }
0xf2: {  	s30 =	sadd.s32 $0x1, s26;
	v18 =	vld [tilespmem:s25+$0xFFFF7B50]  }
0xf3: {  	v58 =	vmov s26;
	v59 =	vmov s30;
	v19 =	vadd.f32 v19, v20;
	v20 =	vld [tilespmem:s25+$0xFFFFBB50]  }
0xf4: {  	v28 =	vmul.f32 v28, v27;
	v16 =	vadd.f32 v16, v21;
	v21 =	vld [tilespmem:s25+$0xFFFFFB50];
	vm1 =	veq.s32 v58, v1  }
0xf5: {  	v29 =	vmul.f32 v29, v27;
	v58 =	vld [tilespmem:s25+$0xFFFF7BA0];
	v5 =	vsel vm1, v19, v5;
	vm1 =	veq.s32 v59, v1  }
0xf6: {  	v19 =	vld [tilespmem:s25+$0xFFFF7B60];
	v5 =	vsel vm1, v16, v5;
	v16 =	vmul.f32 v10, v17;
	v17 =	vmul.f32 v11, v17  }
0xf7: {  	v59 =	vld [tilespmem:s25+$0xFFFFBBA0];
	v10 =	vmul.f32 v13, v12;
	v11 =	vmul.f32 v14, v12  }
0xf8: {  	v1 =	vld [tilespmem:s25+$0xFFFF7FA0];
	v12 =	vmul.f32 v25, v24;
	v13 =	vmul.f32 v26, v24  }
0xf9: {  	v24 =	vmul.f32 v31, v30;
	v25 =	vmul.f32 v32, v30;
	v30 =	vld [tilespmem:s25+$0xFFFFFFA0]  }
0xfa: {  	v27 =	vmul.f32 v35, v33;
	v35 =	vmul.f32 v41, v39;
	v31 =	vld [tilespmem:s25+$0xFFFF7B10]  }
0xfb: {  	v41 =	vmul.f32 v47, v45;
	v14 =	vmul.f32 v22, v15;
	v32 =	vld [tilespmem:s25+$0xFFFFBB10]  }
0xfc: {  	v15 =	vmul.f32 v23, v15;
	v26 =	vmul.f32 v34, v33;
	v33 =	vld [tilespmem:s25+$0xFFFFFB10]  }
0xfd: {  	v22 =	vmul.f32 v37, v36;
	v23 =	vmul.f32 v38, v36;
	v36 =	vld [tilespmem:s25+$0xFFFF7B20]  }
0xfe: {  	v47 =	vmul.f32 v57, v55;
	v34 =	vmul.f32 v40, v39;
	v39 =	vld [tilespmem:s25+$0xFFFFBB20]  }
0xff: {  	v37 =	vmul.f32 v43, v42;
	v38 =	vmul.f32 v44, v42;
	v42 =	vld [tilespmem:s25+$0xFFFFFB20]  }
0x100: {  	v47 =	vadd.f32 $0.0e+00, v47;
	v40 =	vmul.f32 v46, v45;
	v43 =	vmul.f32 v49, v48;
	v45 =	vld [tilespmem:s25+$0xFFFF7F10]  }
0x101: {  	v44 =	vmul.f32 v50, v48;
	v46 =	vmul.f32 v56, v55;
	v48 =	vld [tilespmem:s25+$0xFFFFBF10]  }
0x102: {  	v47 =	vadd.f32 v35, v47;
	v55 =	vld [tilespmem:s25+$0xFFFFFF10];
	v50 =	vmul.f32 v60, v58;
	v60 =	vmul.f32 v62, v61  }
0x103: {  	v46 =	vadd.f32 $0.0e+00, v46;
	v61 =	vmul.f32 v63, v61;
	v62 =	vld [tilespmem:s25+$0xFFFFBF20];
	v49 =	vmul.f32 v59, v58  }
0x104: {  	v29 =	vadd.f32 v29, v47;
	v58 =	vld [tilespmem:s25+$0xFFFF7F20];
	v2 =	vmul.f32 v2, v1;
	v1 =	vmul.f32 v30, v1  }
0x105: {  	v59 =	vld [tilespmem:s25+$0xFFFFFB40];
	v46 =	vadd.f32 v34, v46;
	v30 =	vmul.f32 v32, v31;
	v31 =	vmul.f32 v33, v31  }
0x106: {  	v33 =	vmul.f32 v39, v36;
	v39 =	vld [tilespmem:s25+$0xFFFFFF20];
	v36 =	vmul.f32 v42, v36;
	v50 =	vadd.f32 $0.0e+00, v50  }
0x107: {  	v42 =	vld [tilespmem:s25+$0xFFFFBB40];
	v48 =	vmul.f32 v48, v45;
	v56 =	vadd.f32 $0.0e+00, v60;
	v57 =	vadd.f32 $0.0e+00, v61  }
0x108: {  	v45 =	vmul.f32 v55, v45;
	v55 =	vld [tilespmem:s25+$0xFFFF7F30];
	v49 =	vadd.f32 $0.0e+00, v49;
	v2 =	vadd.f32 $0.0e+00, v2  }
0x109: {  	v60 =	vld [tilespmem:s25+$0xFFFFBF30];
	v28 =	vadd.f32 v28, v46;
	v1 =	vadd.f32 $0.0e+00, v1  }
0x10a: {  	v52 =	vmul.f32 v52, v51;
	v61 =	vld [tilespmem:s25+$0xFFFF7F40];
	v30 =	vadd.f32 $0.0e+00, v30;
	v31 =	vadd.f32 $0.0e+00, v31  }
0x10b: {  	v51 =	vmul.f32 v53, v51;
	v33 =	vadd.f32 $0.0e+00, v33;
	v50 =	vadd.f32 v38, v50;
	v38 =	vld [tilespmem:s25+$0xFFFFFB60]  }
0x10c: {  	v36 =	vadd.f32 $0.0e+00, v36;
	v57 =	vadd.f32 v41, v57;
	v41 =	vld [tilespmem:s25+$0xFFFFFF60];
	v32 =	vmul.f32 v62, v58  }
0x10d: {  	v48 =	vadd.f32 $0.0e+00, v48;
	v45 =	vadd.f32 $0.0e+00, v45;
	v39 =	vmul.f32 v39, v58;
	v58 =	vld [tilespmem:s25+$0xFFFFFF30]  }
0x10e: {  	v56 =	vadd.f32 v40, v56;
	v40 =	vmul.f32 v21, v18;
	v53 =	vadd.f32 $0.0e+00, v32;
	v32 =	vld [tilespmem:s25+$0xFFFFBF40]  }
0x10f: {  	v49 =	vadd.f32 v37, v49;
	v2 =	vadd.f32 v43, v2;
	v35 =	vmul.f32 v60, v55;
	v60 =	vld [tilespmem:s25+$0xFFFFBF50]  }
0x110: {  	v1 =	vadd.f32 v44, v1;
	v62 =	vadd.f32 $0.0e+00, v39;
	v39 =	vmul.f32 v42, v54;
	v42 =	vld [tilespmem:s25+$0xFFFFFF40]  }
0x111: {  	v63 =	vmul.f32 v59, v54;
	v30 =	vadd.f32 v52, v30;
	v31 =	vadd.f32 v51, v31;
	v54 =	vld [tilespmem:s25+$0xFFFFBB60]  }
0x112: {  	v22 =	vadd.f32 v22, v2;
	v23 =	vadd.f32 v23, v1;
	v37 =	vmul.f32 v58, v55;
	v58 =	vld [tilespmem:s25+$0xFFFF7F50]  }
0x113: {  	p0 =	slt.u32 s29, $0x6;
	v59 =	vmul.f32 v32, v61;
	v32 =	vadd.f32 v39, v33;
	v33 =	vadd.f32 v63, v36;
	v63 =	vld [tilespmem:s25+$0xFFFFFF50]  }
.Ltmp1:
0x114: {  	v43 =	vld [tilespmem:s25+$0xFFFFBF60];
	v34 =	vadd.f32 v35, v48;
	v44 =	vmul.f32 v38, v19;
	v39 =	vmul.f32 v20, v18;
	(pc) =	sbr.rel @p0 .LBB2_5-.Ltmp1, $4  }
0x115: {  	v38 =	vld [tilespmem:s25+$0xFFFFBB80];
	v18 =	vadd.f32 v24, v49;
	v24 =	vadd.f32 v26, v56;
	v61 =	vmul.f32 v42, v61  }
0x116: {  	v36 =	vld [tilespmem:s25+$0xFFFFFB80];
	v35 =	vadd.f32 v37, v45;
	v42 =	vmul.f32 v54, v19;
	v19 =	vadd.f32 v25, v50  }
0x117: {  	v26 =	vld [tilespmem:s25+$0xFFFF7F70];
	v25 =	vadd.f32 v27, v57;
	v20 =	vadd.f32 v59, v53  }
0x118: {  	s26 =	smov.u32 s29;
	s29 =	sadd.s32 $0x2, s29;
	v37 =	vld [tilespmem:s25+$0xFFFF7F60];
	v21 =	vadd.f32 v61, v62;
	v45 =	vmul.f32 v60, v58;
	v27 =	vmul.f32 v63, v58  }
0x119: {  	v1 =	vadd.f32 v39, v30  }
0x11a: {  	v2 =	vadd.f32 v40, v31;
	v32 =	vadd.f32 v42, v32  }
0x11b: {  	v33 =	vadd.f32 v44, v33;
	v16 =	vadd.f32 v16, v28  }
0x11c: {  	v57 =	vld [tilespmem:s25+$0xFFFFBF70];
	v17 =	vadd.f32 v17, v29;
	v10 =	vadd.f32 v10, v18  }
0x11d: {  	v59 =	vld [tilespmem:s25+$0xFFFFFF70];
	v11 =	vadd.f32 v11, v19;
	v14 =	vadd.f32 v14, v24  }
0x11e: {  	v9 =	vmul.f32 v9, v7;
	v60 =	vld [tilespmem:s25+$0xFFFF7F80];
	v15 =	vadd.f32 v15, v25;
	v12 =	vadd.f32 v12, v22  }
0x11f: {  	v61 =	vmul.f32 v8, v7;
	v40 =	vld [tilespmem:s25+$0xFFFFBF80];
	v13 =	vadd.f32 v13, v23;
	v34 =	vadd.f32 v45, v34  }
0x120: {  	v42 =	vld [tilespmem:s25+$0xFFFFFF80];
	v27 =	vadd.f32 v27, v35;
	v1 =	vadd.f32 v9, v1  }
0x121: {  	v2 =	vadd.f32 v61, v2;
	v56 =	vmul.f32 v43, v37;
	v58 =	vmul.f32 v41, v37  }
0x122: {  	v16 =	vadd.f32 v17, v16;
	v41 =	vmul.f32 v38, v6;
	v43 =	vmul.f32 v36, v6  }
0x123: {  	v10 =	vadd.f32 v11, v10;
	v44 =	vmul.f32 v57, v26;
	v45 =	vmul.f32 v59, v26  }
0x124: {  	v46 =	vmul.f32 v40, v60;
	v62 =	vadd.f32 v56, v20;
	v63 =	vadd.f32 v58, v21  }
0x125: {  	v48 =	vmul.f32 v42, v60;
	v47 =	vadd.f32 v41, v32;
	v6 =	vadd.f32 v43, v33  }
0x126: {  	v18 =	vadd.f32 v44, v34;
	v19 =	vadd.f32 v45, v27  }
0x127: {  	v7 =	vadd.f32 v46, v62;
	v49 =	vadd.f32 v48, v63  }
0x128: {  	v1 =	vadd.f32 v2, v1;
	v2 =	vadd.f32 v6, v47  }
0x129: {  	v50 =	vadd.f32 v19, v18;
	v7 =	vadd.f32 v49, v7  }
0x12a: {  	v51 =	vadd.f32 v15, v14;
	v52 =	vadd.f32 v13, v12  }
0x12b: {  	v1 =	vadd.f32 v2, v1;
	v2 =	vadd.f32 v7, v50  }
0x12c: {  	v53 =	vadd.f32 v10, v16;
	v54 =	vadd.f32 v52, v51  }
0x12d: {  	v55 =	vperm.xlane v1, v0;
	v56 =	vperm.xlane v2, v0  }
0x12e: {  	v10 =	vperm.xlane v53, v0;
	v57 =	vperm.xlane v54, v0  }
0x12f: {  	v1 =	vadd.f32 v55, v1;
	v2 =	vadd.f32 v2, v56  }
0x130: {  	v6 =	vadd.f32 v10, v53;
	v7 =	vadd.f32 v54, v57  }
0x131: {  	v1 =	vsel vm0, v1, v2  }
0x132: {  	v6 =	vsel vm0, v6, v7;
	v2 =	vperm.xlane v1, v3  }
0x133: {  	v7 =	vperm.xlane v6, v3  }
0x134: {  	v1 =	vadd.f32 v1, v2  }
0x135: {  	v59 =	vld [tilespmem:$0x1FFE0];
	v2 =	vadd.f32 v6, v7  }
0x136: {  	v58 =	vperm.xlane v1, v4  }
0x137: {  	v7 =	vperm.xlane v2, v4  }
0x138: {  	v62 =	vld [tilespmem:$0x1FFF0];
	v1 =	vadd.f32 v1, v58  }
0x139: {  	s24 =	sshll.u32 s24, $0x7;
	v2 =	vadd.f32 v2, v7  }
0x13a: {  	s24 =	sor.u32 s28, s24;
	v6 =	vperm.xlane v1, v59  }
0x13b: {  	v60 =	vld [tilespmem:s24+$0x18600];
	v7 =	vperm.xlane v2, v59  }
0x13c: {  	s30 =	sadd.s32 $0x1, s26;
	v61 =	vmov s26;
	v1 =	vadd.f32 v1, v6  }
0x13d: {  	v63 =	vmov s30;
	vm1 =	veq.s32 v61, v62;
	v2 =	vadd.f32 v2, v7  }
0x13e: {  	s31 =	sshll.u32 s23, $0x4;
	s23 =	sadd.s32 $0x1, s23;
	v1 =	vsel vm1, v1, v5;
	vm1 =	veq.s32 v63, v62  }
0x13f: {  	p0 =	sne.s32 s23, $0x20;
	v1 =	vsel vm1, v2, v1  }
.Ltmp2:
0x140: {  	v1 =	vadd.f32 v60, v1;
	(pc) =	sbr.rel @p0 .LBB2_2-.Ltmp2, $3  }
0x141: {  	_ =	sdelay $0x1  }
0x142: {  	s24 =	sand.u32 $0x3FFFFFF0, s31  }
0x143: {  	s22 =	sadd.s32 $0x1, s22;
	v2 =	vmov v4;
	[tilespmem:s24+$0x18700] =	vst v1;
	v1 =	vmov v3  }
0x144: {  	s21 =	sadd.s32 $0x1, s21  }
0x145: {  	p0 =	sne.s32 s21, s11  }
.Ltmp3:
0x146: {  	_ = 	snop;
	(pc) =	sbr.rel @p0 .LBB2_1-.Ltmp3, $4  }
0x147: {  	[hbm4b:s10+s4] =	stream.linear.scatter [tilespmem:s20], [sflag:$0x3], $0x200, $0x38;
	[tilespmem:$0x18900] =	vst v63  }
0x148: {  	_ =	swait.ge [sflag:s12], $0x200  }
0x149: {  	[sflag:s12] =	ssyncset.done $0x0  }
0x14a: {  	[sflag:s12] =	ssyncadd.s32 $0xFFFFFE00  }
0x14b: {  	_ =	sfence.sel $0x180000  }
0x14c: {  	[bflag:$0x0] =	sbarrier.arrive $0xFFFF  }
0x14d: {  	p0 =	sne.s32 s6, $0x0;
	_ =	strace $0x90000047  }
0x14e: {  	s0 =	sadd.s32 @!p0 $0x100000, s5;
	[bflag:$0x2] =	sbarrier.arrive $0xFFFF  }
0x14f: {  	[sflag:s0] =	ssyncadd.tile.s32 @!p0 $0x1;
	_ =	shalt  }
.Lfunc_end2:
_tile_overlayer_lowered:
.L_overlay_start_2:
0x150: {  	(tag) =	ssettag $0x2  }
0x151: {  	s0 =	rddreg [dreg:$0x0];
	s2 =	stileid.u32  }
0x152: {  	s1 =	rddreg [dreg:$0x1];
	p0 =	sne.s32 s2, $0x0  }
0x153: {  	s3 =	rddreg [dreg:$0x2];
	[bflag:$0x3] =	sbarrier.arrive $0xFFFF;
	s2 =	simm.s32 @!p0 $0x1C03  }
0x154: {  	[timem:s3], [sflag:s2] =	dma.local @!p0 [hbm:s0], s1  }
0x155: {  	s0 =	simm.s32 @!p0 $0x3  }
0x156: {  	_ =	swait.ge @!p0 [sflag:s0], s1  }
0x157: {  	s1 =	ssub.s32 @!p0 $0x0, s1;
	[sflag:s0] =	ssyncset.done @!p0 $0x0  }
0x158: {  	[sflag:s0] =	ssyncadd.s32 @!p0 s1  }
0x159: {  	[bflag:$0x3] =	sbarrier.arrive $0xFFFF  }
0x15a: {  	_ =	shalt  }

</sc_bundles>
